<compile_context>
chip_gen: v7x
topology: tpu7x:2x2x1
jax: 0.10.2.dev20260603
libtpu: 0.0.44.dev20260713+nightly
codegen_flags: <defaults>
</compile_context>

<pallas_src>
import functools

import jax
import jax.numpy as jnp
from jax import lax
from jax.experimental import pallas as pl
from jax.experimental.pallas import tpu as pltpu
from jax.experimental.pallas import tpu_sc as plsc

N = 10000
NPAD = 10240
E = 320000
D = 128
H = 64
C = 10
G = 64

NC = 2
NS = 16
LW = 128
IW = 320
NB = 32
NR = 3
EP = NC * NS * IW * NB
ROWS_T = NPAD // NS

_sc_mesh = plsc.VectorSubcoreMesh(core_axis_name="c", subcore_axis_name="s")
_sc_params = pltpu.CompilerParams(use_tc_tiling_on_sc=False)


@functools.partial(
    pl.kernel,
    out_type=jax.ShapeDtypeStruct((NC * NPAD, 8), jnp.float32),
    mesh=_sc_mesh,
    compiler_params=_sc_params,
    scratch_types=[
        pltpu.VMEM_SHARED((NPAD, 8), jnp.float32),
        pltpu.VMEM((NB, IW), jnp.int32),
        pltpu.VMEM((IW, 8), jnp.float32),
    ],
)
def _sc_degree(dst_hbm, zeros8_hbm, ones_hbm, out_hbm, acc, dstv, onesv):
    cid = lax.axis_index("c")
    sid = lax.axis_index("s")
    wid = cid * NS + sid

    pltpu.sync_copy(zeros8_hbm, acc.at[pl.ds(sid * ROWS_T, ROWS_T), :])
    pltpu.sync_copy(dst_hbm.at[pl.ds(wid * NB, NB), :], dstv)
    pltpu.sync_copy(ones_hbm, onesv)
    plsc.subcore_barrier()

    def body(j, _):
        pltpu.sync_copy(onesv, acc.at[dstv.at[j]], add=True)
        return _

    lax.fori_loop(0, NB, body, None)
    plsc.subcore_barrier()

    pltpu.sync_copy(
        acc.at[pl.ds(sid * ROWS_T, ROWS_T), :],
        out_hbm.at[pl.ds(cid * NPAD + sid * ROWS_T, ROWS_T), :],
    )


@functools.partial(
    pl.kernel,
    out_type=jax.ShapeDtypeStruct((NC * NPAD, H), jnp.float32),
    mesh=_sc_mesh,
    compiler_params=_sc_params,
    scratch_types=[
        pltpu.VMEM_SHARED((NPAD, H), jnp.float32),
        pltpu.VMEM((NB, IW), jnp.int32),
        pltpu.VMEM((NB, IW), jnp.int32),
        [pltpu.VMEM((IW, H), jnp.float32)] * NR,
        [pltpu.SemaphoreType.DMA] * NR,
        [pltpu.SemaphoreType.DMA] * NR,
    ],
)
def _sc_edge_agg(src_hbm, dst_hbm, g_hbm, zeros_hbm, out_hbm,
                 acc, srcv, dstv, rows, gsem, ssem):
    cid = lax.axis_index("c")
    sid = lax.axis_index("s")
    wid = cid * NS + sid
    nstep = NB

    pltpu.sync_copy(zeros_hbm, acc.at[pl.ds(sid * ROWS_T, ROWS_T), :])
    pltpu.sync_copy(src_hbm.at[pl.ds(wid * NB, NB), :], srcv)
    pltpu.sync_copy(dst_hbm.at[pl.ds(wid * NB, NB), :], dstv)
    plsc.subcore_barrier()

    def gather_start(j, k):
        pltpu.async_copy(g_hbm.at[srcv.at[j]], rows[k], gsem[k])

    def gather_wait(j, k):
        pltpu.make_async_copy(g_hbm.at[srcv.at[j]], rows[k], gsem[k]).wait()

    def scatter_start(j, k):
        pltpu.async_copy(rows[k], acc.at[dstv.at[j]], ssem[k], add=True)

    def scatter_wait(j, k):
        pltpu.make_async_copy(rows[k], acc.at[dstv.at[j]], ssem[k]).wait()

    for k in range(NR - 1):
        gather_start(k, k)

    def body(j, _):
        for k in range(NR):
            @pl.when(j % NR == k)
            def _(k=k):
                gather_wait(j, k)
                kn = (k + NR - 1) % NR

                @pl.when(j + NR - 1 < nstep)
                def _():
                    @pl.when(j >= 1)
                    def _():
                        scatter_wait(j - 1, kn)

                    gather_start(j + NR - 1, kn)

                scatter_start(j, k)

        return _

    lax.fori_loop(0, nstep, body, None)
    for t in range(NR, 0, -1):
        scatter_wait(nstep - t, (nstep - t) % NR)
    plsc.subcore_barrier()

    pltpu.sync_copy(
        acc.at[pl.ds(sid * ROWS_T, ROWS_T), :],
        out_hbm.at[pl.ds(cid * NPAD + sid * ROWS_T, ROWS_T), :],
    )


def _tc_dense1_body(x_ref, w1_ref, degp_ref, g_ref, dis_ref):
    deg = (degp_ref[0:NPAD, 0:1] + degp_ref[NPAD:2 * NPAD, 0:1]) + 1.0
    dis = lax.rsqrt(deg)
    h = jnp.dot(x_ref[...], w1_ref[...], preferred_element_type=jnp.float32)
    g_ref[...] = h * dis
    dis_ref[...] = dis


def _tc_dense2_body(sp_ref, g1_ref, dis_ref, b1_ref, w2_ref, g2_ref):
    dis = dis_ref[...]
    s = sp_ref[0:NPAD, :] + sp_ref[NPAD:2 * NPAD, :]
    h1 = jnp.maximum(dis * (s + g1_ref[...]) + b1_ref[...], 0.0)
    g2_ref[...] = jnp.dot(h1, w2_ref[...], preferred_element_type=jnp.float32) * dis


def _tc_final_body(sp_ref, g2_ref, dis_ref, b2_ref, batch_ref, wfc_ref, bfc_ref,
                   out_ref):
    dis = dis_ref[...]
    s = sp_ref[0:NPAD, :] + sp_ref[NPAD:2 * NPAD, :]
    h2 = jnp.maximum(dis * (s + g2_ref[...]) + b2_ref[...], 0.0)
    gid = lax.broadcasted_iota(jnp.int32, (1, G), 1)
    onehot = (batch_ref[...] == gid).astype(jnp.float32)
    sums = lax.dot_general(onehot, h2, (((0,), (0,)), ((), ())),
                           preferred_element_type=jnp.float32)
    counts = jnp.sum(onehot, axis=0)[:, None]
    pooled = sums / jnp.maximum(counts, 1.0)
    out_ref[...] = (jnp.dot(pooled, wfc_ref[...], preferred_element_type=jnp.float32)
                    + bfc_ref[...])


_tc_dense1 = pl.pallas_call(
    _tc_dense1_body,
    out_shape=(jax.ShapeDtypeStruct((NPAD, H), jnp.float32),
               jax.ShapeDtypeStruct((NPAD, 1), jnp.float32)),
)

_tc_dense2 = pl.pallas_call(
    _tc_dense2_body,
    out_shape=jax.ShapeDtypeStruct((NPAD, H), jnp.float32),
)

_tc_final = pl.pallas_call(
    _tc_final_body,
    out_shape=jax.ShapeDtypeStruct((G, C), jnp.float32),
)


def kernel(x, edge_index, batch, W1, b1, W2, b2, Wfc, bfc):
    src = edge_index[0].astype(jnp.int32)
    dst = edge_index[1].astype(jnp.int32)
    pad = N + (jnp.arange(EP - E, dtype=jnp.int32) % (NPAD - N))
    src_p = jnp.concatenate([src, pad]).reshape(EP // IW, IW)
    dst_p = jnp.concatenate([dst, pad]).reshape(EP // IW, IW)

    x_p = jnp.pad(x, ((0, NPAD - N), (0, 0)))
    batch_p = jnp.concatenate(
        [batch.astype(jnp.int32), jnp.full((NPAD - N,), G, jnp.int32)]
    ).reshape(NPAD, 1)

    zeros_rows = jnp.zeros((ROWS_T, H), jnp.float32)
    zeros8 = jnp.zeros((ROWS_T, 8), jnp.float32)
    ones_row = jnp.ones((IW, 8), jnp.float32)

    degp = _sc_degree(dst_p, zeros8, ones_row)
    g1, dis = _tc_dense1(x_p, W1, degp)
    s1 = _sc_edge_agg(src_p, dst_p, g1, zeros_rows)
    g2 = _tc_dense2(s1, g1, dis, b1.reshape(1, H), W2)
    s2 = _sc_edge_agg(src_p, dst_p, g2, zeros_rows)
    return _tc_final(s2, g2, dis, b2.reshape(1, H), batch_p, Wfc,
                     bfc.reshape(1, C))

# --- scband reference (transcript-rebuilt; emitter-appended) ---
"""Pipeline reference for scband-gcn-30142080484078 (READ-ONLY COPY).

The authoritative reference and input builder live on the scoring server;
editing this copy changes nothing except your own understanding.
"""

import jax, jax.numpy as jnp
import numpy as np

N_NODES = 10000
N_EDGES = 320000
D_FEAT = 128
HIDDEN = 64
N_CLASSES = 10
N_GRAPHS = 64


def setup_inputs(seed: int = 0) -> dict:
    key = jax.random.key(seed)
    ks = jax.random.split(key, 10)
    x = jax.random.normal(ks[0], (N_NODES, D_FEAT), dtype=jnp.float32)
    edge_index = jax.random.randint(ks[1], (2, N_EDGES), 0, N_NODES)
    batch = jnp.sort(jax.random.randint(ks[2], (N_NODES,), 0, N_GRAPHS))
    W1 = jax.random.normal(ks[3], (D_FEAT, HIDDEN), dtype=jnp.float32) * (1.0 / np.sqrt(D_FEAT))
    b1 = jnp.zeros((HIDDEN,), jnp.float32)
    W2 = jax.random.normal(ks[4], (HIDDEN, HIDDEN), dtype=jnp.float32) * (1.0 / np.sqrt(HIDDEN))
    b2 = jnp.zeros((HIDDEN,), jnp.float32)
    Wfc = jax.random.normal(ks[5], (HIDDEN, N_CLASSES), dtype=jnp.float32) * (1.0 / np.sqrt(HIDDEN))
    bfc = jnp.zeros((N_CLASSES,), jnp.float32)
    return {"x": x, "edge_index": edge_index, "batch": batch,
            "W1": W1, "b1": b1, "W2": W2, "b2": b2, "Wfc": Wfc, "bfc": bfc}


def _gcn_conv(x, edge_index, W, b):
    # PyG GCNConv: h = D^{-1/2} (A + I) D^{-1/2} (x @ W) + b, with self-loops added
    h = x @ W
    loop = jnp.arange(N_NODES)
    src = jnp.concatenate([edge_index[0], loop])
    dst = jnp.concatenate([edge_index[1], loop])
    deg = jnp.zeros((N_NODES,), jnp.float32).at[dst].add(1.0)
    deg_inv_sqrt = jnp.where(deg > 0, 1.0 / jnp.sqrt(deg), 0.0)
    norm = deg_inv_sqrt[src] * deg_inv_sqrt[dst]
    msg = h[src] * norm[:, None]
    out = jnp.zeros((N_NODES, h.shape[1]), jnp.float32).at[dst].add(msg)
    return out + b


def reference(x, edge_index, batch, W1, b1, W2, b2, Wfc, bfc):
    h = jax.nn.relu(_gcn_conv(x, edge_index, W1, b1))
    h = jax.nn.relu(_gcn_conv(h, edge_index, W2, b2))
    sums = jax.ops.segment_sum(h, batch, num_segments=N_GRAPHS)
    counts = jax.ops.segment_sum(jnp.ones((N_NODES,), jnp.float32), batch, num_segments=N_GRAPHS)
    pooled = sums / jnp.maximum(counts, 1.0)[:, None]
    return pooled @ Wfc + bfc

if __name__ == "__main__":
    import jax
    _d = setup_inputs()
    print(jax.jit(kernel)(*tuple(_d.values())))

</pallas_src>

<mosaic_0001>
#map = affine_map<(d0, d1) -> (0, 0)>
module attributes {stable_mosaic.version = 14 : i64} {
  func.func @_sc_edge_agg(%arg0: i32, %arg1: i32, %arg2: memref<1024x320xi32, #tpu.memory_space<hbm>>, %arg3: memref<1024x320xi32, #tpu.memory_space<hbm>>, %arg4: memref<10240x64xf32, #tpu.memory_space<hbm>>, %arg5: memref<640x64xf32, #tpu.memory_space<hbm>>, %arg6: memref<20480x64xf32, #tpu.memory_space<hbm>>, %arg7: memref<10240x64xf32, #tpu.memory_space<vmem_shared>>, %arg8: memref<32x320xi32, #tpu.memory_space<vmem>>, %arg9: memref<32x320xi32, #tpu.memory_space<vmem>>, %arg10: memref<320x64xf32, #tpu.memory_space<vmem>>, %arg11: memref<320x64xf32, #tpu.memory_space<vmem>>, %arg12: memref<320x64xf32, #tpu.memory_space<vmem>>, %arg13: memref<!tpu.dma_semaphore, #tpu.memory_space<semaphore_mem>>, %arg14: memref<!tpu.dma_semaphore, #tpu.memory_space<semaphore_mem>>, %arg15: memref<!tpu.dma_semaphore, #tpu.memory_space<semaphore_mem>>, %arg16: memref<!tpu.dma_semaphore, #tpu.memory_space<semaphore_mem>>, %arg17: memref<!tpu.dma_semaphore, #tpu.memory_space<semaphore_mem>>, %arg18: memref<!tpu.dma_semaphore, #tpu.memory_space<semaphore_mem>>) attributes {dimension_semantics = [#tpu.dimension_semantics<core_parallel>, #tpu.dimension_semantics<subcore_parallel>], iteration_bounds = array<i64: 2, 16>, scalar_prefetch = 0 : i64, scratch_operands = 12 : i64, tpu.core_type = #tpu.core_type<sc_vector_subcore>, window_params = [{transform_indices = #map}, {transform_indices = #map}, {transform_indices = #map}, {transform_indices = #map}, {transform_indices = #map}]} {
    %mul3A = arith.constant 16 : i32
    %mul3A_0 = arith.muli %arg0, %mul3A : i32
    %add3A = arith.addi %mul3A_0, %arg1 : i32
    %mul3A_1 = arith.constant 640 : i32
    %mul3A_2 = arith.muli %arg1, %mul3A_1 : i32
    "tpu.region"() ({
      %run_scoped3A = tpu.sem_alloc : memref<!tpu.dma_semaphore, #tpu.memory_space<semaphore_mem>>
      %dma_start3A_52 = arith.constant 0 : i32
      %dma_start3A_53 = tpu.memref_slice %arg7[%mul3A_2, %dma_start3A_52] : memref<10240x64xf32, #tpu.memory_space<vmem_shared>> -> memref<640x64xf32, #tpu.memory_space<vmem_shared>>
      tpu.enqueue_dma source(%arg5 : memref<640x64xf32, #tpu.memory_space<hbm>>) target(%dma_start3A_53 : memref<640x64xf32, #tpu.memory_space<vmem_shared>>) target_semaphore(%run_scoped3A : memref<!tpu.dma_semaphore, #tpu.memory_space<semaphore_mem>>)
      %dma_wait3A_54 = arith.constant 0 : i32
      %dma_wait3A_55 = tpu.memref_slice %arg7[%mul3A_2, %dma_wait3A_54] : memref<10240x64xf32, #tpu.memory_space<vmem_shared>> -> memref<640x64xf32, #tpu.memory_space<vmem_shared>>
      tpu.wait_dma2 semaphore(%run_scoped3A : memref<!tpu.dma_semaphore, #tpu.memory_space<semaphore_mem>>) src(%arg5 : memref<640x64xf32, #tpu.memory_space<hbm>>) dst(%dma_wait3A_55 : memref<640x64xf32, #tpu.memory_space<vmem_shared>>)
      tpu.yield
    }) : () -> ()
    %mul3A_3 = arith.constant 32 : i32
    %mul3A_4 = arith.muli %add3A, %mul3A_3 : i32
    "tpu.region"() ({
      %run_scoped3A = tpu.sem_alloc : memref<!tpu.dma_semaphore, #tpu.memory_space<semaphore_mem>>
      %dma_start3A_52 = arith.constant 0 : i32
      %dma_start3A_53 = tpu.memref_slice %arg2[%mul3A_4, %dma_start3A_52] : memref<1024x320xi32, #tpu.memory_space<hbm>> -> memref<32x320xi32, #tpu.memory_space<hbm>>
      %dma_start3A_54 = arith.constant 0 : i32
      %dma_start3A_55 = tpu.memref_slice %arg2[%mul3A_4, %dma_start3A_54] : memref<1024x320xi32, #tpu.memory_space<hbm>> -> memref<32x320xi32, #tpu.memory_space<hbm>>
      tpu.enqueue_dma source(%dma_start3A_55 : memref<32x320xi32, #tpu.memory_space<hbm>>) target(%arg8 : memref<32x320xi32, #tpu.memory_space<vmem>>) target_semaphore(%run_scoped3A : memref<!tpu.dma_semaphore, #tpu.memory_space<semaphore_mem>>)
      %dma_wait3A_56 = arith.constant 0 : i32
      %dma_wait3A_57 = tpu.memref_slice %arg2[%mul3A_4, %dma_wait3A_56] : memref<1024x320xi32, #tpu.memory_space<hbm>> -> memref<32x320xi32, #tpu.memory_space<hbm>>
      %dma_wait3A_58 = arith.constant 0 : i32
      %dma_wait3A_59 = tpu.memref_slice %arg2[%mul3A_4, %dma_wait3A_58] : memref<1024x320xi32, #tpu.memory_space<hbm>> -> memref<32x320xi32, #tpu.memory_space<hbm>>
      tpu.wait_dma2 semaphore(%run_scoped3A : memref<!tpu.dma_semaphore, #tpu.memory_space<semaphore_mem>>) src(%dma_wait3A_59 : memref<32x320xi32, #tpu.memory_space<hbm>>) dst(%arg8 : memref<32x320xi32, #tpu.memory_space<vmem>>)
      tpu.yield
    }) : () -> ()
    %mul3A_5 = arith.constant 32 : i32
    %mul3A_6 = arith.muli %add3A, %mul3A_5 : i32
    "tpu.region"() ({
      %run_scoped3A = tpu.sem_alloc : memref<!tpu.dma_semaphore, #tpu.memory_space<semaphore_mem>>
      %dma_start3A_52 = arith.constant 0 : i32
      %dma_start3A_53 = tpu.memref_slice %arg3[%mul3A_6, %dma_start3A_52] : memref<1024x320xi32, #tpu.memory_space<hbm>> -> memref<32x320xi32, #tpu.memory_space<hbm>>
      %dma_start3A_54 = arith.constant 0 : i32
      %dma_start3A_55 = tpu.memref_slice %arg3[%mul3A_6, %dma_start3A_54] : memref<1024x320xi32, #tpu.memory_space<hbm>> -> memref<32x320xi32, #tpu.memory_space<hbm>>
      tpu.enqueue_dma source(%dma_start3A_55 : memref<32x320xi32, #tpu.memory_space<hbm>>) target(%arg9 : memref<32x320xi32, #tpu.memory_space<vmem>>) target_semaphore(%run_scoped3A : memref<!tpu.dma_semaphore, #tpu.memory_space<semaphore_mem>>)
      %dma_wait3A_56 = arith.constant 0 : i32
      %dma_wait3A_57 = tpu.memref_slice %arg3[%mul3A_6, %dma_wait3A_56] : memref<1024x320xi32, #tpu.memory_space<hbm>> -> memref<32x320xi32, #tpu.memory_space<hbm>>
      %dma_wait3A_58 = arith.constant 0 : i32
      %dma_wait3A_59 = tpu.memref_slice %arg3[%mul3A_6, %dma_wait3A_58] : memref<1024x320xi32, #tpu.memory_space<hbm>> -> memref<32x320xi32, #tpu.memory_space<hbm>>
      tpu.wait_dma2 semaphore(%run_scoped3A : memref<!tpu.dma_semaphore, #tpu.memory_space<semaphore_mem>>) src(%dma_wait3A_59 : memref<32x320xi32, #tpu.memory_space<hbm>>) dst(%arg9 : memref<32x320xi32, #tpu.memory_space<vmem>>)
      tpu.yield
    }) : () -> ()
    %barrier3A = arith.constant 0 : index
    tpu.barrier barrier_id(%barrier3A)
    %dma_start3A = arith.constant 0 : i32
    %dma_start3A_7 = arith.constant 0 : i32
    %dma_start3A_8 = tpu.memref_slice %arg8[%dma_start3A, %dma_start3A_7] : memref<32x320xi32, #tpu.memory_space<vmem>> -> memref<1x320xi32, #tpu.memory_space<vmem>>
    %dma_start3A_9 = tpu.memref_squeeze %dma_start3A_8 : memref<1x320xi32, #tpu.memory_space<vmem>> -> memref<320xi32, #tpu.memory_space<vmem>>
    %dma_start3A_10 = arith.constant 0 : i32
    %dma_start3A_11 = arith.constant 0 : i32
    %dma_start3A_12 = tpu.memref_slice %arg4[%dma_start3A_10, %dma_start3A_11] : memref<10240x64xf32, #tpu.memory_space<hbm>> -> memref<10240x64xf32, #tpu.memory_space<hbm>>
    tpu.enqueue_indirect_dma source(%dma_start3A_12 : memref<10240x64xf32, #tpu.memory_space<hbm>>) target(%arg10 : memref<320x64xf32, #tpu.memory_space<vmem>>) offsets(%dma_start3A_9 : memref<320xi32, #tpu.memory_space<vmem>>) semaphore(%arg13 : memref<!tpu.dma_semaphore, #tpu.memory_space<semaphore_mem>>)
    %dma_start3A_13 = arith.constant 1 : i32
    %dma_start3A_14 = arith.constant 0 : i32
    %dma_start3A_15 = tpu.memref_slice %arg8[%dma_start3A_13, %dma_start3A_14] : memref<32x320xi32, #tpu.memory_space<vmem>> -> memref<1x320xi32, #tpu.memory_space<vmem>>
    %dma_start3A_16 = tpu.memref_squeeze %dma_start3A_15 : memref<1x320xi32, #tpu.memory_space<vmem>> -> memref<320xi32, #tpu.memory_space<vmem>>
    %dma_start3A_17 = arith.constant 0 : i32
    %dma_start3A_18 = arith.constant 0 : i32
    %dma_start3A_19 = tpu.memref_slice %arg4[%dma_start3A_17, %dma_start3A_18] : memref<10240x64xf32, #tpu.memory_space<hbm>> -> memref<10240x64xf32, #tpu.memory_space<hbm>>
    tpu.enqueue_indirect_dma source(%dma_start3A_19 : memref<10240x64xf32, #tpu.memory_space<hbm>>) target(%arg11 : memref<320x64xf32, #tpu.memory_space<vmem>>) offsets(%dma_start3A_16 : memref<320xi32, #tpu.memory_space<vmem>>) semaphore(%arg14 : memref<!tpu.dma_semaphore, #tpu.memory_space<semaphore_mem>>)
    %scan3A = arith.constant 0 : i32
    %scan3A_20 = arith.constant 32 : i32
    %scan3A_21 = arith.addi %scan3A, %scan3A_20 : i32
    %scan3A_22 = arith.constant 1 : i32
    scf.for %scan3A_52 = %scan3A to %scan3A_21 step %scan3A_22  : i32 {
      %jit3A = arith.constant 3 : i32
      %eq3A = arith.constant 0 : i32
      %eq3A_53 = arith.cmpi eq, %jit3A, %eq3A : i32
      %jit3A_54 = arith.constant 1 : i32
      %select_n3A = arith.select %eq3A_53, %jit3A_54, %jit3A : i32
      %rem3A = arith.remsi %scan3A_52, %select_n3A : i32
      %ne3A = arith.constant 0 : i32
      %ne3A_55 = arith.cmpi ne, %rem3A, %ne3A : i32
      %lt3A = arith.constant 0 : i32
      %lt3A_56 = arith.cmpi slt, %rem3A, %lt3A : i32
      %lt3A_57 = arith.constant 0 : i32
      %lt3A_58 = arith.cmpi slt, %select_n3A, %lt3A_57 : i32
      %ne3A_59 = arith.xori %lt3A_56, %lt3A_58 : i1
      %and3A = arith.andi %ne3A_59, %ne3A_55 : i1
      %add3A_60 = arith.addi %rem3A, %select_n3A : i32
      %select_n3A_61 = arith.select %and3A, %add3A_60, %rem3A : i32
      %eq3A_62 = arith.constant 0 : i32
      %eq3A_63 = arith.cmpi eq, %select_n3A_61, %eq3A_62 : i32
      %convert_element_type3A = arith.extui %eq3A_63 : i1 to i32
      %cond3A = arith.constant 0 : i32
      %cond3A_64 = arith.cmpi ne, %convert_element_type3A, %cond3A : i32
      scf.if %cond3A_64 {
        %dma_wait3A_107 = arith.constant 0 : i32
        %dma_wait3A_108 = tpu.memref_slice %arg8[%scan3A_52, %dma_wait3A_107] : memref<32x320xi32, #tpu.memory_space<vmem>> -> memref<1x320xi32, #tpu.memory_space<vmem>>
        %dma_wait3A_109 = tpu.memref_squeeze %dma_wait3A_108 : memref<1x320xi32, #tpu.memory_space<vmem>> -> memref<320xi32, #tpu.memory_space<vmem>>
        %dma_wait3A_110 = arith.constant 0 : i32
        %dma_wait3A_111 = arith.constant 0 : i32
        %dma_wait3A_112 = tpu.memref_slice %arg4[%dma_wait3A_110, %dma_wait3A_111] : memref<10240x64xf32, #tpu.memory_space<hbm>> -> memref<10240x64xf32, #tpu.memory_space<hbm>>
        tpu.wait_indirect_dma semaphore(%arg13 : memref<!tpu.dma_semaphore, #tpu.memory_space<semaphore_mem>>) src(%dma_wait3A_112 : memref<10240x64xf32, #tpu.memory_space<hbm>>) dst(%arg10 : memref<320x64xf32, #tpu.memory_space<vmem>>)
        %add3A_113 = arith.constant 3 : i32
        %add3A_114 = arith.addi %scan3A_52, %add3A_113 : i32
        %sub3A = arith.constant 1 : i32
        %sub3A_115 = arith.subi %add3A_114, %sub3A : i32
        %lt3A_116 = arith.constant 32 : i32
        %lt3A_117 = arith.cmpi slt, %sub3A_115, %lt3A_116 : i32
        %convert_element_type3A_118 = arith.extui %lt3A_117 : i1 to i32
        %cond3A_119 = arith.constant 0 : i32
        %cond3A_120 = arith.cmpi ne, %convert_element_type3A_118, %cond3A_119 : i32
        scf.if %cond3A_120 {
          %ge3A = arith.constant 1 : i32
          %ge3A_127 = arith.cmpi sge, %scan3A_52, %ge3A : i32
          %convert_element_type3A_128 = arith.extui %ge3A_127 : i1 to i32
          %cond3A_129 = arith.constant 0 : i32
          %cond3A_130 = arith.cmpi ne, %convert_element_type3A_128, %cond3A_129 : i32
          scf.if %cond3A_130 {
            %sub3A_141 = arith.constant 1 : i32
            %sub3A_142 = arith.subi %scan3A_52, %sub3A_141 : i32
            %dma_wait3A_143 = arith.constant 0 : i32
            %dma_wait3A_144 = tpu.memref_slice %arg9[%sub3A_142, %dma_wait3A_143] : memref<32x320xi32, #tpu.memory_space<vmem>> -> memref<1x320xi32, #tpu.memory_space<vmem>>
            %dma_wait3A_145 = tpu.memref_squeeze %dma_wait3A_144 : memref<1x320xi32, #tpu.memory_space<vmem>> -> memref<320xi32, #tpu.memory_space<vmem>>
            %dma_wait3A_146 = arith.constant 0 : i32
            %dma_wait3A_147 = arith.constant 0 : i32
            %dma_wait3A_148 = tpu.memref_slice %arg7[%dma_wait3A_146, %dma_wait3A_147] : memref<10240x64xf32, #tpu.memory_space<vmem_shared>> -> memref<10240x64xf32, #tpu.memory_space<vmem_shared>>
            tpu.wait_indirect_dma semaphore(%arg18 : memref<!tpu.dma_semaphore, #tpu.memory_space<semaphore_mem>>) src(%arg12 : memref<320x64xf32, #tpu.memory_space<vmem>>) dst(%dma_wait3A_148 : memref<10240x64xf32, #tpu.memory_space<vmem_shared>>)
          } else {
          }
          %add3A_131 = arith.constant 3 : i32
          %add3A_132 = arith.addi %scan3A_52, %add3A_131 : i32
          %sub3A_133 = arith.constant 1 : i32
          %sub3A_134 = arith.subi %add3A_132, %sub3A_133 : i32
          %dma_start3A_135 = arith.constant 0 : i32
          %dma_start3A_136 = tpu.memref_slice %arg8[%sub3A_134, %dma_start3A_135] : memref<32x320xi32, #tpu.memory_space<vmem>> -> memref<1x320xi32, #tpu.memory_space<vmem>>
          %dma_start3A_137 = tpu.memref_squeeze %dma_start3A_136 : memref<1x320xi32, #tpu.memory_space<vmem>> -> memref<320xi32, #tpu.memory_space<vmem>>
          %dma_start3A_138 = arith.constant 0 : i32
          %dma_start3A_139 = arith.constant 0 : i32
          %dma_start3A_140 = tpu.memref_slice %arg4[%dma_start3A_138, %dma_start3A_139] : memref<10240x64xf32, #tpu.memory_space<hbm>> -> memref<10240x64xf32, #tpu.memory_space<hbm>>
          tpu.enqueue_indirect_dma source(%dma_start3A_140 : memref<10240x64xf32, #tpu.memory_space<hbm>>) target(%arg12 : memref<320x64xf32, #tpu.memory_space<vmem>>) offsets(%dma_start3A_137 : memref<320xi32, #tpu.memory_space<vmem>>) semaphore(%arg15 : memref<!tpu.dma_semaphore, #tpu.memory_space<semaphore_mem>>)
        } else {
        }
        %dma_start3A_121 = arith.constant 0 : i32
        %dma_start3A_122 = tpu.memref_slice %arg9[%scan3A_52, %dma_start3A_121] : memref<32x320xi32, #tpu.memory_space<vmem>> -> memref<1x320xi32, #tpu.memory_space<vmem>>
        %dma_start3A_123 = tpu.memref_squeeze %dma_start3A_122 : memref<1x320xi32, #tpu.memory_space<vmem>> -> memref<320xi32, #tpu.memory_space<vmem>>
        %dma_start3A_124 = arith.constant 0 : i32
        %dma_start3A_125 = arith.constant 0 : i32
        %dma_start3A_126 = tpu.memref_slice %arg7[%dma_start3A_124, %dma_start3A_125] : memref<10240x64xf32, #tpu.memory_space<vmem_shared>> -> memref<10240x64xf32, #tpu.memory_space<vmem_shared>>
        tpu.enqueue_indirect_dma source(%arg10 : memref<320x64xf32, #tpu.memory_space<vmem>>) target(%dma_start3A_126 : memref<10240x64xf32, #tpu.memory_space<vmem_shared>>) offsets(%dma_start3A_123 : memref<320xi32, #tpu.memory_space<vmem>>) semaphore(%arg16 : memref<!tpu.dma_semaphore, #tpu.memory_space<semaphore_mem>>) {add = true}
      } else {
      }
      %jit3A_65 = arith.constant 3 : i32
      %eq3A_66 = arith.constant 0 : i32
      %eq3A_67 = arith.cmpi eq, %jit3A_65, %eq3A_66 : i32
      %jit3A_68 = arith.constant 1 : i32
      %select_n3A_69 = arith.select %eq3A_67, %jit3A_68, %jit3A_65 : i32
      %rem3A_70 = arith.remsi %scan3A_52, %select_n3A_69 : i32
      %ne3A_71 = arith.constant 0 : i32
      %ne3A_72 = arith.cmpi ne, %rem3A_70, %ne3A_71 : i32
      %lt3A_73 = arith.constant 0 : i32
      %lt3A_74 = arith.cmpi slt, %rem3A_70, %lt3A_73 : i32
      %lt3A_75 = arith.constant 0 : i32
      %lt3A_76 = arith.cmpi slt, %select_n3A_69, %lt3A_75 : i32
      %ne3A_77 = arith.xori %lt3A_74, %lt3A_76 : i1
      %and3A_78 = arith.andi %ne3A_77, %ne3A_72 : i1
      %add3A_79 = arith.addi %rem3A_70, %select_n3A_69 : i32
      %select_n3A_80 = arith.select %and3A_78, %add3A_79, %rem3A_70 : i32
      %eq3A_81 = arith.constant 1 : i32
      %eq3A_82 = arith.cmpi eq, %select_n3A_80, %eq3A_81 : i32
      %convert_element_type3A_83 = arith.extui %eq3A_82 : i1 to i32
      %cond3A_84 = arith.constant 0 : i32
      %cond3A_85 = arith.cmpi ne, %convert_element_type3A_83, %cond3A_84 : i32
      scf.if %cond3A_85 {
        %dma_wait3A_107 = arith.constant 0 : i32
        %dma_wait3A_108 = tpu.memref_slice %arg8[%scan3A_52, %dma_wait3A_107] : memref<32x320xi32, #tpu.memory_space<vmem>> -> memref<1x320xi32, #tpu.memory_space<vmem>>
        %dma_wait3A_109 = tpu.memref_squeeze %dma_wait3A_108 : memref<1x320xi32, #tpu.memory_space<vmem>> -> memref<320xi32, #tpu.memory_space<vmem>>
        %dma_wait3A_110 = arith.constant 0 : i32
        %dma_wait3A_111 = arith.constant 0 : i32
        %dma_wait3A_112 = tpu.memref_slice %arg4[%dma_wait3A_110, %dma_wait3A_111] : memref<10240x64xf32, #tpu.memory_space<hbm>> -> memref<10240x64xf32, #tpu.memory_space<hbm>>
        tpu.wait_indirect_dma semaphore(%arg14 : memref<!tpu.dma_semaphore, #tpu.memory_space<semaphore_mem>>) src(%dma_wait3A_112 : memref<10240x64xf32, #tpu.memory_space<hbm>>) dst(%arg11 : memref<320x64xf32, #tpu.memory_space<vmem>>)
        %add3A_113 = arith.constant 3 : i32
        %add3A_114 = arith.addi %scan3A_52, %add3A_113 : i32
        %sub3A = arith.constant 1 : i32
        %sub3A_115 = arith.subi %add3A_114, %sub3A : i32
        %lt3A_116 = arith.constant 32 : i32
        %lt3A_117 = arith.cmpi slt, %sub3A_115, %lt3A_116 : i32
        %convert_element_type3A_118 = arith.extui %lt3A_117 : i1 to i32
        %cond3A_119 = arith.constant 0 : i32
        %cond3A_120 = arith.cmpi ne, %convert_element_type3A_118, %cond3A_119 : i32
        scf.if %cond3A_120 {
          %ge3A = arith.constant 1 : i32
          %ge3A_127 = arith.cmpi sge, %scan3A_52, %ge3A : i32
          %convert_element_type3A_128 = arith.extui %ge3A_127 : i1 to i32
          %cond3A_129 = arith.constant 0 : i32
          %cond3A_130 = arith.cmpi ne, %convert_element_type3A_128, %cond3A_129 : i32
          scf.if %cond3A_130 {
            %sub3A_141 = arith.constant 1 : i32
            %sub3A_142 = arith.subi %scan3A_52, %sub3A_141 : i32
            %dma_wait3A_143 = arith.constant 0 : i32
            %dma_wait3A_144 = tpu.memref_slice %arg9[%sub3A_142, %dma_wait3A_143] : memref<32x320xi32, #tpu.memory_space<vmem>> -> memref<1x320xi32, #tpu.memory_space<vmem>>
            %dma_wait3A_145 = tpu.memref_squeeze %dma_wait3A_144 : memref<1x320xi32, #tpu.memory_space<vmem>> -> memref<320xi32, #tpu.memory_space<vmem>>
            %dma_wait3A_146 = arith.constant 0 : i32
            %dma_wait3A_147 = arith.constant 0 : i32
            %dma_wait3A_148 = tpu.memref_slice %arg7[%dma_wait3A_146, %dma_wait3A_147] : memref<10240x64xf32, #tpu.memory_space<vmem_shared>> -> memref<10240x64xf32, #tpu.memory_space<vmem_shared>>
            tpu.wait_indirect_dma semaphore(%arg16 : memref<!tpu.dma_semaphore, #tpu.memory_space<semaphore_mem>>) src(%arg10 : memref<320x64xf32, #tpu.memory_space<vmem>>) dst(%dma_wait3A_148 : memref<10240x64xf32, #tpu.memory_space<vmem_shared>>)
          } else {
          }
          %add3A_131 = arith.constant 3 : i32
          %add3A_132 = arith.addi %scan3A_52, %add3A_131 : i32
          %sub3A_133 = arith.constant 1 : i32
          %sub3A_134 = arith.subi %add3A_132, %sub3A_133 : i32
          %dma_start3A_135 = arith.constant 0 : i32
          %dma_start3A_136 = tpu.memref_slice %arg8[%sub3A_134, %dma_start3A_135] : memref<32x320xi32, #tpu.memory_space<vmem>> -> memref<1x320xi32, #tpu.memory_space<vmem>>
          %dma_start3A_137 = tpu.memref_squeeze %dma_start3A_136 : memref<1x320xi32, #tpu.memory_space<vmem>> -> memref<320xi32, #tpu.memory_space<vmem>>
          %dma_start3A_138 = arith.constant 0 : i32
          %dma_start3A_139 = arith.constant 0 : i32
          %dma_start3A_140 = tpu.memref_slice %arg4[%dma_start3A_138, %dma_start3A_139] : memref<10240x64xf32, #tpu.memory_space<hbm>> -> memref<10240x64xf32, #tpu.memory_space<hbm>>
          tpu.enqueue_indirect_dma source(%dma_start3A_140 : memref<10240x64xf32, #tpu.memory_space<hbm>>) target(%arg10 : memref<320x64xf32, #tpu.memory_space<vmem>>) offsets(%dma_start3A_137 : memref<320xi32, #tpu.memory_space<vmem>>) semaphore(%arg13 : memref<!tpu.dma_semaphore, #tpu.memory_space<semaphore_mem>>)
        } else {
        }
        %dma_start3A_121 = arith.constant 0 : i32
        %dma_start3A_122 = tpu.memref_slice %arg9[%scan3A_52, %dma_start3A_121] : memref<32x320xi32, #tpu.memory_space<vmem>> -> memref<1x320xi32, #tpu.memory_space<vmem>>
        %dma_start3A_123 = tpu.memref_squeeze %dma_start3A_122 : memref<1x320xi32, #tpu.memory_space<vmem>> -> memref<320xi32, #tpu.memory_space<vmem>>
        %dma_start3A_124 = arith.constant 0 : i32
        %dma_start3A_125 = arith.constant 0 : i32
        %dma_start3A_126 = tpu.memref_slice %arg7[%dma_start3A_124, %dma_start3A_125] : memref<10240x64xf32, #tpu.memory_space<vmem_shared>> -> memref<10240x64xf32, #tpu.memory_space<vmem_shared>>
        tpu.enqueue_indirect_dma source(%arg11 : memref<320x64xf32, #tpu.memory_space<vmem>>) target(%dma_start3A_126 : memref<10240x64xf32, #tpu.memory_space<vmem_shared>>) offsets(%dma_start3A_123 : memref<320xi32, #tpu.memory_space<vmem>>) semaphore(%arg17 : memref<!tpu.dma_semaphore, #tpu.memory_space<semaphore_mem>>) {add = true}
      } else {
      }
      %jit3A_86 = arith.constant 3 : i32
      %eq3A_87 = arith.constant 0 : i32
      %eq3A_88 = arith.cmpi eq, %jit3A_86, %eq3A_87 : i32
      %jit3A_89 = arith.constant 1 : i32
      %select_n3A_90 = arith.select %eq3A_88, %jit3A_89, %jit3A_86 : i32
      %rem3A_91 = arith.remsi %scan3A_52, %select_n3A_90 : i32
      %ne3A_92 = arith.constant 0 : i32
      %ne3A_93 = arith.cmpi ne, %rem3A_91, %ne3A_92 : i32
      %lt3A_94 = arith.constant 0 : i32
      %lt3A_95 = arith.cmpi slt, %rem3A_91, %lt3A_94 : i32
      %lt3A_96 = arith.constant 0 : i32
      %lt3A_97 = arith.cmpi slt, %select_n3A_90, %lt3A_96 : i32
      %ne3A_98 = arith.xori %lt3A_95, %lt3A_97 : i1
      %and3A_99 = arith.andi %ne3A_98, %ne3A_93 : i1
      %add3A_100 = arith.addi %rem3A_91, %select_n3A_90 : i32
      %select_n3A_101 = arith.select %and3A_99, %add3A_100, %rem3A_91 : i32
      %eq3A_102 = arith.constant 2 : i32
      %eq3A_103 = arith.cmpi eq, %select_n3A_101, %eq3A_102 : i32
      %convert_element_type3A_104 = arith.extui %eq3A_103 : i1 to i32
      %cond3A_105 = arith.constant 0 : i32
      %cond3A_106 = arith.cmpi ne, %convert_element_type3A_104, %cond3A_105 : i32
      scf.if %cond3A_106 {
        %dma_wait3A_107 = arith.constant 0 : i32
        %dma_wait3A_108 = tpu.memref_slice %arg8[%scan3A_52, %dma_wait3A_107] : memref<32x320xi32, #tpu.memory_space<vmem>> -> memref<1x320xi32, #tpu.memory_space<vmem>>
        %dma_wait3A_109 = tpu.memref_squeeze %dma_wait3A_108 : memref<1x320xi32, #tpu.memory_space<vmem>> -> memref<320xi32, #tpu.memory_space<vmem>>
        %dma_wait3A_110 = arith.constant 0 : i32
        %dma_wait3A_111 = arith.constant 0 : i32
        %dma_wait3A_112 = tpu.memref_slice %arg4[%dma_wait3A_110, %dma_wait3A_111] : memref<10240x64xf32, #tpu.memory_space<hbm>> -> memref<10240x64xf32, #tpu.memory_space<hbm>>
        tpu.wait_indirect_dma semaphore(%arg15 : memref<!tpu.dma_semaphore, #tpu.memory_space<semaphore_mem>>) src(%dma_wait3A_112 : memref<10240x64xf32, #tpu.memory_space<hbm>>) dst(%arg12 : memref<320x64xf32, #tpu.memory_space<vmem>>)
        %add3A_113 = arith.constant 3 : i32
        %add3A_114 = arith.addi %scan3A_52, %add3A_113 : i32
        %sub3A = arith.constant 1 : i32
        %sub3A_115 = arith.subi %add3A_114, %sub3A : i32
        %lt3A_116 = arith.constant 32 : i32
        %lt3A_117 = arith.cmpi slt, %sub3A_115, %lt3A_116 : i32
        %convert_element_type3A_118 = arith.extui %lt3A_117 : i1 to i32
        %cond3A_119 = arith.constant 0 : i32
        %cond3A_120 = arith.cmpi ne, %convert_element_type3A_118, %cond3A_119 : i32
        scf.if %cond3A_120 {
          %ge3A = arith.constant 1 : i32
          %ge3A_127 = arith.cmpi sge, %scan3A_52, %ge3A : i32
          %convert_element_type3A_128 = arith.extui %ge3A_127 : i1 to i32
          %cond3A_129 = arith.constant 0 : i32
          %cond3A_130 = arith.cmpi ne, %convert_element_type3A_128, %cond3A_129 : i32
          scf.if %cond3A_130 {
            %sub3A_141 = arith.constant 1 : i32
            %sub3A_142 = arith.subi %scan3A_52, %sub3A_141 : i32
            %dma_wait3A_143 = arith.constant 0 : i32
            %dma_wait3A_144 = tpu.memref_slice %arg9[%sub3A_142, %dma_wait3A_143] : memref<32x320xi32, #tpu.memory_space<vmem>> -> memref<1x320xi32, #tpu.memory_space<vmem>>
            %dma_wait3A_145 = tpu.memref_squeeze %dma_wait3A_144 : memref<1x320xi32, #tpu.memory_space<vmem>> -> memref<320xi32, #tpu.memory_space<vmem>>
            %dma_wait3A_146 = arith.constant 0 : i32
            %dma_wait3A_147 = arith.constant 0 : i32
            %dma_wait3A_148 = tpu.memref_slice %arg7[%dma_wait3A_146, %dma_wait3A_147] : memref<10240x64xf32, #tpu.memory_space<vmem_shared>> -> memref<10240x64xf32, #tpu.memory_space<vmem_shared>>
            tpu.wait_indirect_dma semaphore(%arg17 : memref<!tpu.dma_semaphore, #tpu.memory_space<semaphore_mem>>) src(%arg11 : memref<320x64xf32, #tpu.memory_space<vmem>>) dst(%dma_wait3A_148 : memref<10240x64xf32, #tpu.memory_space<vmem_shared>>)
          } else {
          }
          %add3A_131 = arith.constant 3 : i32
          %add3A_132 = arith.addi %scan3A_52, %add3A_131 : i32
          %sub3A_133 = arith.constant 1 : i32
          %sub3A_134 = arith.subi %add3A_132, %sub3A_133 : i32
          %dma_start3A_135 = arith.constant 0 : i32
          %dma_start3A_136 = tpu.memref_slice %arg8[%sub3A_134, %dma_start3A_135] : memref<32x320xi32, #tpu.memory_space<vmem>> -> memref<1x320xi32, #tpu.memory_space<vmem>>
          %dma_start3A_137 = tpu.memref_squeeze %dma_start3A_136 : memref<1x320xi32, #tpu.memory_space<vmem>> -> memref<320xi32, #tpu.memory_space<vmem>>
          %dma_start3A_138 = arith.constant 0 : i32
          %dma_start3A_139 = arith.constant 0 : i32
          %dma_start3A_140 = tpu.memref_slice %arg4[%dma_start3A_138, %dma_start3A_139] : memref<10240x64xf32, #tpu.memory_space<hbm>> -> memref<10240x64xf32, #tpu.memory_space<hbm>>
          tpu.enqueue_indirect_dma source(%dma_start3A_140 : memref<10240x64xf32, #tpu.memory_space<hbm>>) target(%arg11 : memref<320x64xf32, #tpu.memory_space<vmem>>) offsets(%dma_start3A_137 : memref<320xi32, #tpu.memory_space<vmem>>) semaphore(%arg14 : memref<!tpu.dma_semaphore, #tpu.memory_space<semaphore_mem>>)
        } else {
        }
        %dma_start3A_121 = arith.constant 0 : i32
        %dma_start3A_122 = tpu.memref_slice %arg9[%scan3A_52, %dma_start3A_121] : memref<32x320xi32, #tpu.memory_space<vmem>> -> memref<1x320xi32, #tpu.memory_space<vmem>>
        %dma_start3A_123 = tpu.memref_squeeze %dma_start3A_122 : memref<1x320xi32, #tpu.memory_space<vmem>> -> memref<320xi32, #tpu.memory_space<vmem>>
        %dma_start3A_124 = arith.constant 0 : i32
        %dma_start3A_125 = arith.constant 0 : i32
        %dma_start3A_126 = tpu.memref_slice %arg7[%dma_start3A_124, %dma_start3A_125] : memref<10240x64xf32, #tpu.memory_space<vmem_shared>> -> memref<10240x64xf32, #tpu.memory_space<vmem_shared>>
        tpu.enqueue_indirect_dma source(%arg12 : memref<320x64xf32, #tpu.memory_space<vmem>>) target(%dma_start3A_126 : memref<10240x64xf32, #tpu.memory_space<vmem_shared>>) offsets(%dma_start3A_123 : memref<320xi32, #tpu.memory_space<vmem>>) semaphore(%arg18 : memref<!tpu.dma_semaphore, #tpu.memory_space<semaphore_mem>>) {add = true}
      } else {
      }
    }
    %scan3A_23 = arith.constant 32 : i32
    %dma_wait3A = arith.constant 29 : i32
    %dma_wait3A_24 = arith.constant 0 : i32
    %dma_wait3A_25 = tpu.memref_slice %arg9[%dma_wait3A, %dma_wait3A_24] : memref<32x320xi32, #tpu.memory_space<vmem>> -> memref<1x320xi32, #tpu.memory_space<vmem>>
    %dma_wait3A_26 = tpu.memref_squeeze %dma_wait3A_25 : memref<1x320xi32, #tpu.memory_space<vmem>> -> memref<320xi32, #tpu.memory_space<vmem>>
    %dma_wait3A_27 = arith.constant 0 : i32
    %dma_wait3A_28 = arith.constant 0 : i32
    %dma_wait3A_29 = tpu.memref_slice %arg7[%dma_wait3A_27, %dma_wait3A_28] : memref<10240x64xf32, #tpu.memory_space<vmem_shared>> -> memref<10240x64xf32, #tpu.memory_space<vmem_shared>>
    tpu.wait_indirect_dma semaphore(%arg18 : memref<!tpu.dma_semaphore, #tpu.memory_space<semaphore_mem>>) src(%arg12 : memref<320x64xf32, #tpu.memory_space<vmem>>) dst(%dma_wait3A_29 : memref<10240x64xf32, #tpu.memory_space<vmem_shared>>)
    %dma_wait3A_30 = arith.constant 30 : i32
    %dma_wait3A_31 = arith.constant 0 : i32
    %dma_wait3A_32 = tpu.memref_slice %arg9[%dma_wait3A_30, %dma_wait3A_31] : memref<32x320xi32, #tpu.memory_space<vmem>> -> memref<1x320xi32, #tpu.memory_space<vmem>>
    %dma_wait3A_33 = tpu.memref_squeeze %dma_wait3A_32 : memref<1x320xi32, #tpu.memory_space<vmem>> -> memref<320xi32, #tpu.memory_space<vmem>>
    %dma_wait3A_34 = arith.constant 0 : i32
    %dma_wait3A_35 = arith.constant 0 : i32
    %dma_wait3A_36 = tpu.memref_slice %arg7[%dma_wait3A_34, %dma_wait3A_35] : memref<10240x64xf32, #tpu.memory_space<vmem_shared>> -> memref<10240x64xf32, #tpu.memory_space<vmem_shared>>
    tpu.wait_indirect_dma semaphore(%arg16 : memref<!tpu.dma_semaphore, #tpu.memory_space<semaphore_mem>>) src(%arg10 : memref<320x64xf32, #tpu.memory_space<vmem>>) dst(%dma_wait3A_36 : memref<10240x64xf32, #tpu.memory_space<vmem_shared>>)
    %dma_wait3A_37 = arith.constant 31 : i32
    %dma_wait3A_38 = arith.constant 0 : i32
    %dma_wait3A_39 = tpu.memref_slice %arg9[%dma_wait3A_37, %dma_wait3A_38] : memref<32x320xi32, #tpu.memory_space<vmem>> -> memref<1x320xi32, #tpu.memory_space<vmem>>
    %dma_wait3A_40 = tpu.memref_squeeze %dma_wait3A_39 : memref<1x320xi32, #tpu.memory_space<vmem>> -> memref<320xi32, #tpu.memory_space<vmem>>
    %dma_wait3A_41 = arith.constant 0 : i32
    %dma_wait3A_42 = arith.constant 0 : i32
    %dma_wait3A_43 = tpu.memref_slice %arg7[%dma_wait3A_41, %dma_wait3A_42] : memref<10240x64xf32, #tpu.memory_space<vmem_shared>> -> memref<10240x64xf32, #tpu.memory_space<vmem_shared>>
    tpu.wait_indirect_dma semaphore(%arg17 : memref<!tpu.dma_semaphore, #tpu.memory_space<semaphore_mem>>) src(%arg11 : memref<320x64xf32, #tpu.memory_space<vmem>>) dst(%dma_wait3A_43 : memref<10240x64xf32, #tpu.memory_space<vmem_shared>>)
    %barrier3A_44 = arith.constant 0 : index
    tpu.barrier barrier_id(%barrier3A_44)
    %mul3A_45 = arith.constant 640 : i32
    %mul3A_46 = arith.muli %arg1, %mul3A_45 : i32
    %mul3A_47 = arith.constant 10240 : i32
    %mul3A_48 = arith.muli %arg0, %mul3A_47 : i32
    %mul3A_49 = arith.constant 640 : i32
    %mul3A_50 = arith.muli %arg1, %mul3A_49 : i32
    %add3A_51 = arith.addi %mul3A_48, %mul3A_50 : i32
    "tpu.region"() ({
      %run_scoped3A = tpu.sem_alloc : memref<!tpu.dma_semaphore, #tpu.memory_space<semaphore_mem>>
      %dma_start3A_52 = arith.constant 0 : i32
      %dma_start3A_53 = tpu.memref_slice %arg6[%add3A_51, %dma_start3A_52] : memref<20480x64xf32, #tpu.memory_space<hbm>> -> memref<640x64xf32, #tpu.memory_space<hbm>>
      %dma_start3A_54 = arith.constant 0 : i32
      %dma_start3A_55 = tpu.memref_slice %arg7[%mul3A_46, %dma_start3A_54] : memref<10240x64xf32, #tpu.memory_space<vmem_shared>> -> memref<640x64xf32, #tpu.memory_space<vmem_shared>>
      tpu.enqueue_dma source(%dma_start3A_55 : memref<640x64xf32, #tpu.memory_space<vmem_shared>>) target(%dma_start3A_53 : memref<640x64xf32, #tpu.memory_space<hbm>>) target_semaphore(%run_scoped3A : memref<!tpu.dma_semaphore, #tpu.memory_space<semaphore_mem>>)
      %dma_wait3A_56 = arith.constant 0 : i32
      %dma_wait3A_57 = tpu.memref_slice %arg6[%add3A_51, %dma_wait3A_56] : memref<20480x64xf32, #tpu.memory_space<hbm>> -> memref<640x64xf32, #tpu.memory_space<hbm>>
      %dma_wait3A_58 = arith.constant 0 : i32
      %dma_wait3A_59 = tpu.memref_slice %arg7[%mul3A_46, %dma_wait3A_58] : memref<10240x64xf32, #tpu.memory_space<vmem_shared>> -> memref<640x64xf32, #tpu.memory_space<vmem_shared>>
      tpu.wait_dma2 semaphore(%run_scoped3A : memref<!tpu.dma_semaphore, #tpu.memory_space<semaphore_mem>>) src(%dma_wait3A_59 : memref<640x64xf32, #tpu.memory_space<vmem_shared>>) dst(%dma_wait3A_57 : memref<640x64xf32, #tpu.memory_space<hbm>>)
      tpu.yield
    }) : () -> ()
    return
  }
}

#map = affine_map<(d0, d1) -> (0, 0)>
module attributes {stable_mosaic.version = 14 : i64} {
  func.func @_sc_degree(%arg0: i32, %arg1: i32, %arg2: memref<1024x320xi32, #tpu.memory_space<hbm>>, %arg3: memref<640x8xf32, #tpu.memory_space<hbm>>, %arg4: memref<320x8xf32, #tpu.memory_space<hbm>>, %arg5: memref<20480x8xf32, #tpu.memory_space<hbm>>, %arg6: memref<10240x8xf32, #tpu.memory_space<vmem_shared>>, %arg7: memref<32x320xi32, #tpu.memory_space<vmem>>, %arg8: memref<320x8xf32, #tpu.memory_space<vmem>>) attributes {dimension_semantics = [#tpu.dimension_semantics<core_parallel>, #tpu.dimension_semantics<subcore_parallel>], iteration_bounds = array<i64: 2, 16>, scalar_prefetch = 0 : i64, scratch_operands = 3 : i64, tpu.core_type = #tpu.core_type<sc_vector_subcore>, window_params = [{transform_indices = #map}, {transform_indices = #map}, {transform_indices = #map}, {transform_indices = #map}]} {
    %mul3A = arith.constant 16 : i32
    %mul3A_0 = arith.muli %arg0, %mul3A : i32
    %add3A = arith.addi %mul3A_0, %arg1 : i32
    %mul3A_1 = arith.constant 640 : i32
    %mul3A_2 = arith.muli %arg1, %mul3A_1 : i32
    "tpu.region"() ({
      %run_scoped3A = tpu.sem_alloc : memref<!tpu.dma_semaphore, #tpu.memory_space<semaphore_mem>>
      %dma_start3A = arith.constant 0 : i32
      %dma_start3A_17 = tpu.memref_slice %arg6[%mul3A_2, %dma_start3A] : memref<10240x8xf32, #tpu.memory_space<vmem_shared>> -> memref<640x8xf32, #tpu.memory_space<vmem_shared>>
      tpu.enqueue_dma source(%arg3 : memref<640x8xf32, #tpu.memory_space<hbm>>) target(%dma_start3A_17 : memref<640x8xf32, #tpu.memory_space<vmem_shared>>) target_semaphore(%run_scoped3A : memref<!tpu.dma_semaphore, #tpu.memory_space<semaphore_mem>>)
      %dma_wait3A = arith.constant 0 : i32
      %dma_wait3A_18 = tpu.memref_slice %arg6[%mul3A_2, %dma_wait3A] : memref<10240x8xf32, #tpu.memory_space<vmem_shared>> -> memref<640x8xf32, #tpu.memory_space<vmem_shared>>
      tpu.wait_dma2 semaphore(%run_scoped3A : memref<!tpu.dma_semaphore, #tpu.memory_space<semaphore_mem>>) src(%arg3 : memref<640x8xf32, #tpu.memory_space<hbm>>) dst(%dma_wait3A_18 : memref<640x8xf32, #tpu.memory_space<vmem_shared>>)
      tpu.yield
    }) : () -> ()
    %mul3A_3 = arith.constant 32 : i32
    %mul3A_4 = arith.muli %add3A, %mul3A_3 : i32
    "tpu.region"() ({
      %run_scoped3A = tpu.sem_alloc : memref<!tpu.dma_semaphore, #tpu.memory_space<semaphore_mem>>
      %dma_start3A = arith.constant 0 : i32
      %dma_start3A_17 = tpu.memref_slice %arg2[%mul3A_4, %dma_start3A] : memref<1024x320xi32, #tpu.memory_space<hbm>> -> memref<32x320xi32, #tpu.memory_space<hbm>>
      %dma_start3A_18 = arith.constant 0 : i32
      %dma_start3A_19 = tpu.memref_slice %arg2[%mul3A_4, %dma_start3A_18] : memref<1024x320xi32, #tpu.memory_space<hbm>> -> memref<32x320xi32, #tpu.memory_space<hbm>>
      tpu.enqueue_dma source(%dma_start3A_19 : memref<32x320xi32, #tpu.memory_space<hbm>>) target(%arg7 : memref<32x320xi32, #tpu.memory_space<vmem>>) target_semaphore(%run_scoped3A : memref<!tpu.dma_semaphore, #tpu.memory_space<semaphore_mem>>)
      %dma_wait3A = arith.constant 0 : i32
      %dma_wait3A_20 = tpu.memref_slice %arg2[%mul3A_4, %dma_wait3A] : memref<1024x320xi32, #tpu.memory_space<hbm>> -> memref<32x320xi32, #tpu.memory_space<hbm>>
      %dma_wait3A_21 = arith.constant 0 : i32
      %dma_wait3A_22 = tpu.memref_slice %arg2[%mul3A_4, %dma_wait3A_21] : memref<1024x320xi32, #tpu.memory_space<hbm>> -> memref<32x320xi32, #tpu.memory_space<hbm>>
      tpu.wait_dma2 semaphore(%run_scoped3A : memref<!tpu.dma_semaphore, #tpu.memory_space<semaphore_mem>>) src(%dma_wait3A_22 : memref<32x320xi32, #tpu.memory_space<hbm>>) dst(%arg7 : memref<32x320xi32, #tpu.memory_space<vmem>>)
      tpu.yield
    }) : () -> ()
    "tpu.region"() ({
      %run_scoped3A = tpu.sem_alloc : memref<!tpu.dma_semaphore, #tpu.memory_space<semaphore_mem>>
      tpu.enqueue_dma source(%arg4 : memref<320x8xf32, #tpu.memory_space<hbm>>) target(%arg8 : memref<320x8xf32, #tpu.memory_space<vmem>>) target_semaphore(%run_scoped3A : memref<!tpu.dma_semaphore, #tpu.memory_space<semaphore_mem>>)
      tpu.wait_dma2 semaphore(%run_scoped3A : memref<!tpu.dma_semaphore, #tpu.memory_space<semaphore_mem>>) src(%arg4 : memref<320x8xf32, #tpu.memory_space<hbm>>) dst(%arg8 : memref<320x8xf32, #tpu.memory_space<vmem>>)
      tpu.yield
    }) : () -> ()
    %barrier3A = arith.constant 0 : index
    tpu.barrier barrier_id(%barrier3A)
    %scan3A = arith.constant 0 : i32
    %scan3A_5 = arith.constant 32 : i32
    %scan3A_6 = arith.addi %scan3A, %scan3A_5 : i32
    %scan3A_7 = arith.constant 1 : i32
    scf.for %scan3A_17 = %scan3A to %scan3A_6 step %scan3A_7  : i32 {
      "tpu.region"() ({
        %run_scoped3A = tpu.sem_alloc : memref<!tpu.dma_semaphore, #tpu.memory_space<semaphore_mem>>
        %dma_start3A = arith.constant 0 : i32
        %dma_start3A_18 = tpu.memref_slice %arg7[%scan3A_17, %dma_start3A] : memref<32x320xi32, #tpu.memory_space<vmem>> -> memref<1x320xi32, #tpu.memory_space<vmem>>
        %dma_start3A_19 = tpu.memref_squeeze %dma_start3A_18 : memref<1x320xi32, #tpu.memory_space<vmem>> -> memref<320xi32, #tpu.memory_space<vmem>>
        %dma_start3A_20 = arith.constant 0 : i32
        %dma_start3A_21 = arith.constant 0 : i32
        %dma_start3A_22 = tpu.memref_slice %arg6[%dma_start3A_20, %dma_start3A_21] : memref<10240x8xf32, #tpu.memory_space<vmem_shared>> -> memref<10240x8xf32, #tpu.memory_space<vmem_shared>>
        tpu.enqueue_indirect_dma source(%arg8 : memref<320x8xf32, #tpu.memory_space<vmem>>) target(%dma_start3A_22 : memref<10240x8xf32, #tpu.memory_space<vmem_shared>>) offsets(%dma_start3A_19 : memref<320xi32, #tpu.memory_space<vmem>>) semaphore(%run_scoped3A : memref<!tpu.dma_semaphore, #tpu.memory_space<semaphore_mem>>) {add = true}
        %dma_wait3A = arith.constant 0 : i32
        %dma_wait3A_23 = tpu.memref_slice %arg7[%scan3A_17, %dma_wait3A] : memref<32x320xi32, #tpu.memory_space<vmem>> -> memref<1x320xi32, #tpu.memory_space<vmem>>
        %dma_wait3A_24 = tpu.memref_squeeze %dma_wait3A_23 : memref<1x320xi32, #tpu.memory_space<vmem>> -> memref<320xi32, #tpu.memory_space<vmem>>
        %dma_wait3A_25 = arith.constant 0 : i32
        %dma_wait3A_26 = arith.constant 0 : i32
        %dma_wait3A_27 = tpu.memref_slice %arg6[%dma_wait3A_25, %dma_wait3A_26] : memref<10240x8xf32, #tpu.memory_space<vmem_shared>> -> memref<10240x8xf32, #tpu.memory_space<vmem_shared>>
        tpu.wait_indirect_dma semaphore(%run_scoped3A : memref<!tpu.dma_semaphore, #tpu.memory_space<semaphore_mem>>) src(%arg8 : memref<320x8xf32, #tpu.memory_space<vmem>>) dst(%dma_wait3A_27 : memref<10240x8xf32, #tpu.memory_space<vmem_shared>>)
        tpu.yield
      }) : () -> ()
    }
    %scan3A_8 = arith.constant 32 : i32
    %barrier3A_9 = arith.constant 0 : index
    tpu.barrier barrier_id(%barrier3A_9)
    %mul3A_10 = arith.constant 640 : i32
    %mul3A_11 = arith.muli %arg1, %mul3A_10 : i32
    %mul3A_12 = arith.constant 10240 : i32
    %mul3A_13 = arith.muli %arg0, %mul3A_12 : i32
    %mul3A_14 = arith.constant 640 : i32
    %mul3A_15 = arith.muli %arg1, %mul3A_14 : i32
    %add3A_16 = arith.addi %mul3A_13, %mul3A_15 : i32
    "tpu.region"() ({
      %run_scoped3A = tpu.sem_alloc : memref<!tpu.dma_semaphore, #tpu.memory_space<semaphore_mem>>
      %dma_start3A = arith.constant 0 : i32
      %dma_start3A_17 = tpu.memref_slice %arg5[%add3A_16, %dma_start3A] : memref<20480x8xf32, #tpu.memory_space<hbm>> -> memref<640x8xf32, #tpu.memory_space<hbm>>
      %dma_start3A_18 = arith.constant 0 : i32
      %dma_start3A_19 = tpu.memref_slice %arg6[%mul3A_11, %dma_start3A_18] : memref<10240x8xf32, #tpu.memory_space<vmem_shared>> -> memref<640x8xf32, #tpu.memory_space<vmem_shared>>
      tpu.enqueue_dma source(%dma_start3A_19 : memref<640x8xf32, #tpu.memory_space<vmem_shared>>) target(%dma_start3A_17 : memref<640x8xf32, #tpu.memory_space<hbm>>) target_semaphore(%run_scoped3A : memref<!tpu.dma_semaphore, #tpu.memory_space<semaphore_mem>>)
      %dma_wait3A = arith.constant 0 : i32
      %dma_wait3A_20 = tpu.memref_slice %arg5[%add3A_16, %dma_wait3A] : memref<20480x8xf32, #tpu.memory_space<hbm>> -> memref<640x8xf32, #tpu.memory_space<hbm>>
      %dma_wait3A_21 = arith.constant 0 : i32
      %dma_wait3A_22 = tpu.memref_slice %arg6[%mul3A_11, %dma_wait3A_21] : memref<10240x8xf32, #tpu.memory_space<vmem_shared>> -> memref<640x8xf32, #tpu.memory_space<vmem_shared>>
      tpu.wait_dma2 semaphore(%run_scoped3A : memref<!tpu.dma_semaphore, #tpu.memory_space<semaphore_mem>>) src(%dma_wait3A_22 : memref<640x8xf32, #tpu.memory_space<vmem_shared>>) dst(%dma_wait3A_20 : memref<640x8xf32, #tpu.memory_space<hbm>>)
      tpu.yield
    }) : () -> ()
    return
  }
}

#map = affine_map<(d0, d1) -> (0, 0)>
module attributes {stable_mosaic.version = 14 : i64} {
  func.func @_sc_edge_agg(%arg0: i32, %arg1: i32, %arg2: memref<1024x320xi32, #tpu.memory_space<hbm>>, %arg3: memref<1024x320xi32, #tpu.memory_space<hbm>>, %arg4: memref<10240x64xf32, #tpu.memory_space<hbm>>, %arg5: memref<640x64xf32, #tpu.memory_space<hbm>>, %arg6: memref<20480x64xf32, #tpu.memory_space<hbm>>, %arg7: memref<10240x64xf32, #tpu.memory_space<vmem_shared>>, %arg8: memref<32x320xi32, #tpu.memory_space<vmem>>, %arg9: memref<32x320xi32, #tpu.memory_space<vmem>>, %arg10: memref<320x64xf32, #tpu.memory_space<vmem>>, %arg11: memref<320x64xf32, #tpu.memory_space<vmem>>, %arg12: memref<320x64xf32, #tpu.memory_space<vmem>>, %arg13: memref<!tpu.dma_semaphore, #tpu.memory_space<semaphore_mem>>, %arg14: memref<!tpu.dma_semaphore, #tpu.memory_space<semaphore_mem>>, %arg15: memref<!tpu.dma_semaphore, #tpu.memory_space<semaphore_mem>>, %arg16: memref<!tpu.dma_semaphore, #tpu.memory_space<semaphore_mem>>, %arg17: memref<!tpu.dma_semaphore, #tpu.memory_space<semaphore_mem>>, %arg18: memref<!tpu.dma_semaphore, #tpu.memory_space<semaphore_mem>>) attributes {dimension_semantics = [#tpu.dimension_semantics<core_parallel>, #tpu.dimension_semantics<subcore_parallel>], iteration_bounds = array<i64: 2, 16>, scalar_prefetch = 0 : i64, scratch_operands = 12 : i64, tpu.core_type = #tpu.core_type<sc_vector_subcore>, window_params = [{transform_indices = #map}, {transform_indices = #map}, {transform_indices = #map}, {transform_indices = #map}, {transform_indices = #map}]} {
    %mul3A = arith.constant 16 : i32
    %mul3A_0 = arith.muli %arg0, %mul3A : i32
    %add3A = arith.addi %mul3A_0, %arg1 : i32
    %mul3A_1 = arith.constant 640 : i32
    %mul3A_2 = arith.muli %arg1, %mul3A_1 : i32
    "tpu.region"() ({
      %run_scoped3A = tpu.sem_alloc : memref<!tpu.dma_semaphore, #tpu.memory_space<semaphore_mem>>
      %dma_start3A_52 = arith.constant 0 : i32
      %dma_start3A_53 = tpu.memref_slice %arg7[%mul3A_2, %dma_start3A_52] : memref<10240x64xf32, #tpu.memory_space<vmem_shared>> -> memref<640x64xf32, #tpu.memory_space<vmem_shared>>
      tpu.enqueue_dma source(%arg5 : memref<640x64xf32, #tpu.memory_space<hbm>>) target(%dma_start3A_53 : memref<640x64xf32, #tpu.memory_space<vmem_shared>>) target_semaphore(%run_scoped3A : memref<!tpu.dma_semaphore, #tpu.memory_space<semaphore_mem>>)
      %dma_wait3A_54 = arith.constant 0 : i32
      %dma_wait3A_55 = tpu.memref_slice %arg7[%mul3A_2, %dma_wait3A_54] : memref<10240x64xf32, #tpu.memory_space<vmem_shared>> -> memref<640x64xf32, #tpu.memory_space<vmem_shared>>
      tpu.wait_dma2 semaphore(%run_scoped3A : memref<!tpu.dma_semaphore, #tpu.memory_space<semaphore_mem>>) src(%arg5 : memref<640x64xf32, #tpu.memory_space<hbm>>) dst(%dma_wait3A_55 : memref<640x64xf32, #tpu.memory_space<vmem_shared>>)
      tpu.yield
    }) : () -> ()
    %mul3A_3 = arith.constant 32 : i32
    %mul3A_4 = arith.muli %add3A, %mul3A_3 : i32
    "tpu.region"() ({
      %run_scoped3A = tpu.sem_alloc : memref<!tpu.dma_semaphore, #tpu.memory_space<semaphore_mem>>
      %dma_start3A_52 = arith.constant 0 : i32
      %dma_start3A_53 = tpu.memref_slice %arg2[%mul3A_4, %dma_start3A_52] : memref<1024x320xi32, #tpu.memory_space<hbm>> -> memref<32x320xi32, #tpu.memory_space<hbm>>
      %dma_start3A_54 = arith.constant 0 : i32
      %dma_start3A_55 = tpu.memref_slice %arg2[%mul3A_4, %dma_start3A_54] : memref<1024x320xi32, #tpu.memory_space<hbm>> -> memref<32x320xi32, #tpu.memory_space<hbm>>
      tpu.enqueue_dma source(%dma_start3A_55 : memref<32x320xi32, #tpu.memory_space<hbm>>) target(%arg8 : memref<32x320xi32, #tpu.memory_space<vmem>>) target_semaphore(%run_scoped3A : memref<!tpu.dma_semaphore, #tpu.memory_space<semaphore_mem>>)
      %dma_wait3A_56 = arith.constant 0 : i32
      %dma_wait3A_57 = tpu.memref_slice %arg2[%mul3A_4, %dma_wait3A_56] : memref<1024x320xi32, #tpu.memory_space<hbm>> -> memref<32x320xi32, #tpu.memory_space<hbm>>
      %dma_wait3A_58 = arith.constant 0 : i32
      %dma_wait3A_59 = tpu.memref_slice %arg2[%mul3A_4, %dma_wait3A_58] : memref<1024x320xi32, #tpu.memory_space<hbm>> -> memref<32x320xi32, #tpu.memory_space<hbm>>
      tpu.wait_dma2 semaphore(%run_scoped3A : memref<!tpu.dma_semaphore, #tpu.memory_space<semaphore_mem>>) src(%dma_wait3A_59 : memref<32x320xi32, #tpu.memory_space<hbm>>) dst(%arg8 : memref<32x320xi32, #tpu.memory_space<vmem>>)
      tpu.yield
    }) : () -> ()
    %mul3A_5 = arith.constant 32 : i32
    %mul3A_6 = arith.muli %add3A, %mul3A_5 : i32
    "tpu.region"() ({
      %run_scoped3A = tpu.sem_alloc : memref<!tpu.dma_semaphore, #tpu.memory_space<semaphore_mem>>
      %dma_start3A_52 = arith.constant 0 : i32
      %dma_start3A_53 = tpu.memref_slice %arg3[%mul3A_6, %dma_start3A_52] : memref<1024x320xi32, #tpu.memory_space<hbm>> -> memref<32x320xi32, #tpu.memory_space<hbm>>
      %dma_start3A_54 = arith.constant 0 : i32
      %dma_start3A_55 = tpu.memref_slice %arg3[%mul3A_6, %dma_start3A_54] : memref<1024x320xi32, #tpu.memory_space<hbm>> -> memref<32x320xi32, #tpu.memory_space<hbm>>
      tpu.enqueue_dma source(%dma_start3A_55 : memref<32x320xi32, #tpu.memory_space<hbm>>) target(%arg9 : memref<32x320xi32, #tpu.memory_space<vmem>>) target_semaphore(%run_scoped3A : memref<!tpu.dma_semaphore, #tpu.memory_space<semaphore_mem>>)
      %dma_wait3A_56 = arith.constant 0 : i32
      %dma_wait3A_57 = tpu.memref_slice %arg3[%mul3A_6, %dma_wait3A_56] : memref<1024x320xi32, #tpu.memory_space<hbm>> -> memref<32x320xi32, #tpu.memory_space<hbm>>
      %dma_wait3A_58 = arith.constant 0 : i32
      %dma_wait3A_59 = tpu.memref_slice %arg3[%mul3A_6, %dma_wait3A_58] : memref<1024x320xi32, #tpu.memory_space<hbm>> -> memref<32x320xi32, #tpu.memory_space<hbm>>
      tpu.wait_dma2 semaphore(%run_scoped3A : memref<!tpu.dma_semaphore, #tpu.memory_space<semaphore_mem>>) src(%dma_wait3A_59 : memref<32x320xi32, #tpu.memory_space<hbm>>) dst(%arg9 : memref<32x320xi32, #tpu.memory_space<vmem>>)
      tpu.yield
    }) : () -> ()
    %barrier3A = arith.constant 0 : index
    tpu.barrier barrier_id(%barrier3A)
    %dma_start3A = arith.constant 0 : i32
    %dma_start3A_7 = arith.constant 0 : i32
    %dma_start3A_8 = tpu.memref_slice %arg8[%dma_start3A, %dma_start3A_7] : memref<32x320xi32, #tpu.memory_space<vmem>> -> memref<1x320xi32, #tpu.memory_space<vmem>>
    %dma_start3A_9 = tpu.memref_squeeze %dma_start3A_8 : memref<1x320xi32, #tpu.memory_space<vmem>> -> memref<320xi32, #tpu.memory_space<vmem>>
    %dma_start3A_10 = arith.constant 0 : i32
    %dma_start3A_11 = arith.constant 0 : i32
    %dma_start3A_12 = tpu.memref_slice %arg4[%dma_start3A_10, %dma_start3A_11] : memref<10240x64xf32, #tpu.memory_space<hbm>> -> memref<10240x64xf32, #tpu.memory_space<hbm>>
    tpu.enqueue_indirect_dma source(%dma_start3A_12 : memref<10240x64xf32, #tpu.memory_space<hbm>>) target(%arg10 : memref<320x64xf32, #tpu.memory_space<vmem>>) offsets(%dma_start3A_9 : memref<320xi32, #tpu.memory_space<vmem>>) semaphore(%arg13 : memref<!tpu.dma_semaphore, #tpu.memory_space<semaphore_mem>>)
    %dma_start3A_13 = arith.constant 1 : i32
    %dma_start3A_14 = arith.constant 0 : i32
    %dma_start3A_15 = tpu.memref_slice %arg8[%dma_start3A_13, %dma_start3A_14] : memref<32x320xi32, #tpu.memory_space<vmem>> -> memref<1x320xi32, #tpu.memory_space<vmem>>
    %dma_start3A_16 = tpu.memref_squeeze %dma_start3A_15 : memref<1x320xi32, #tpu.memory_space<vmem>> -> memref<320xi32, #tpu.memory_space<vmem>>
    %dma_start3A_17 = arith.constant 0 : i32
    %dma_start3A_18 = arith.constant 0 : i32
    %dma_start3A_19 = tpu.memref_slice %arg4[%dma_start3A_17, %dma_start3A_18] : memref<10240x64xf32, #tpu.memory_space<hbm>> -> memref<10240x64xf32, #tpu.memory_space<hbm>>
    tpu.enqueue_indirect_dma source(%dma_start3A_19 : memref<10240x64xf32, #tpu.memory_space<hbm>>) target(%arg11 : memref<320x64xf32, #tpu.memory_space<vmem>>) offsets(%dma_start3A_16 : memref<320xi32, #tpu.memory_space<vmem>>) semaphore(%arg14 : memref<!tpu.dma_semaphore, #tpu.memory_space<semaphore_mem>>)
    %scan3A = arith.constant 0 : i32
    %scan3A_20 = arith.constant 32 : i32
    %scan3A_21 = arith.addi %scan3A, %scan3A_20 : i32
    %scan3A_22 = arith.constant 1 : i32
    scf.for %scan3A_52 = %scan3A to %scan3A_21 step %scan3A_22  : i32 {
      %jit3A = arith.constant 3 : i32
      %eq3A = arith.constant 0 : i32
      %eq3A_53 = arith.cmpi eq, %jit3A, %eq3A : i32
      %jit3A_54 = arith.constant 1 : i32
      %select_n3A = arith.select %eq3A_53, %jit3A_54, %jit3A : i32
      %rem3A = arith.remsi %scan3A_52, %select_n3A : i32
      %ne3A = arith.constant 0 : i32
      %ne3A_55 = arith.cmpi ne, %rem3A, %ne3A : i32
      %lt3A = arith.constant 0 : i32
      %lt3A_56 = arith.cmpi slt, %rem3A, %lt3A : i32
      %lt3A_57 = arith.constant 0 : i32
      %lt3A_58 = arith.cmpi slt, %select_n3A, %lt3A_57 : i32
      %ne3A_59 = arith.xori %lt3A_56, %lt3A_58 : i1
      %and3A = arith.andi %ne3A_59, %ne3A_55 : i1
      %add3A_60 = arith.addi %rem3A, %select_n3A : i32
      %select_n3A_61 = arith.select %and3A, %add3A_60, %rem3A : i32
      %eq3A_62 = arith.constant 0 : i32
      %eq3A_63 = arith.cmpi eq, %select_n3A_61, %eq3A_62 : i32
      %convert_element_type3A = arith.extui %eq3A_63 : i1 to i32
      %cond3A = arith.constant 0 : i32
      %cond3A_64 = arith.cmpi ne, %convert_element_type3A, %cond3A : i32
      scf.if %cond3A_64 {
        %dma_wait3A_107 = arith.constant 0 : i32
        %dma_wait3A_108 = tpu.memref_slice %arg8[%scan3A_52, %dma_wait3A_107] : memref<32x320xi32, #tpu.memory_space<vmem>> -> memref<1x320xi32, #tpu.memory_space<vmem>>
        %dma_wait3A_109 = tpu.memref_squeeze %dma_wait3A_108 : memref<1x320xi32, #tpu.memory_space<vmem>> -> memref<320xi32, #tpu.memory_space<vmem>>
        %dma_wait3A_110 = arith.constant 0 : i32
        %dma_wait3A_111 = arith.constant 0 : i32
        %dma_wait3A_112 = tpu.memref_slice %arg4[%dma_wait3A_110, %dma_wait3A_111] : memref<10240x64xf32, #tpu.memory_space<hbm>> -> memref<10240x64xf32, #tpu.memory_space<hbm>>
        tpu.wait_indirect_dma semaphore(%arg13 : memref<!tpu.dma_semaphore, #tpu.memory_space<semaphore_mem>>) src(%dma_wait3A_112 : memref<10240x64xf32, #tpu.memory_space<hbm>>) dst(%arg10 : memref<320x64xf32, #tpu.memory_space<vmem>>)
        %add3A_113 = arith.constant 3 : i32
        %add3A_114 = arith.addi %scan3A_52, %add3A_113 : i32
        %sub3A = arith.constant 1 : i32
        %sub3A_115 = arith.subi %add3A_114, %sub3A : i32
        %lt3A_116 = arith.constant 32 : i32
        %lt3A_117 = arith.cmpi slt, %sub3A_115, %lt3A_116 : i32
        %convert_element_type3A_118 = arith.extui %lt3A_117 : i1 to i32
        %cond3A_119 = arith.constant 0 : i32
        %cond3A_120 = arith.cmpi ne, %convert_element_type3A_118, %cond3A_119 : i32
        scf.if %cond3A_120 {
          %ge3A = arith.constant 1 : i32
          %ge3A_127 = arith.cmpi sge, %scan3A_52, %ge3A : i32
          %convert_element_type3A_128 = arith.extui %ge3A_127 : i1 to i32
          %cond3A_129 = arith.constant 0 : i32
          %cond3A_130 = arith.cmpi ne, %convert_element_type3A_128, %cond3A_129 : i32
          scf.if %cond3A_130 {
            %sub3A_141 = arith.constant 1 : i32
            %sub3A_142 = arith.subi %scan3A_52, %sub3A_141 : i32
            %dma_wait3A_143 = arith.constant 0 : i32
            %dma_wait3A_144 = tpu.memref_slice %arg9[%sub3A_142, %dma_wait3A_143] : memref<32x320xi32, #tpu.memory_space<vmem>> -> memref<1x320xi32, #tpu.memory_space<vmem>>
            %dma_wait3A_145 = tpu.memref_squeeze %dma_wait3A_144 : memref<1x320xi32, #tpu.memory_space<vmem>> -> memref<320xi32, #tpu.memory_space<vmem>>
            %dma_wait3A_146 = arith.constant 0 : i32
            %dma_wait3A_147 = arith.constant 0 : i32
            %dma_wait3A_148 = tpu.memref_slice %arg7[%dma_wait3A_146, %dma_wait3A_147] : memref<10240x64xf32, #tpu.memory_space<vmem_shared>> -> memref<10240x64xf32, #tpu.memory_space<vmem_shared>>
            tpu.wait_indirect_dma semaphore(%arg18 : memref<!tpu.dma_semaphore, #tpu.memory_space<semaphore_mem>>) src(%arg12 : memref<320x64xf32, #tpu.memory_space<vmem>>) dst(%dma_wait3A_148 : memref<10240x64xf32, #tpu.memory_space<vmem_shared>>)
          } else {
          }
          %add3A_131 = arith.constant 3 : i32
          %add3A_132 = arith.addi %scan3A_52, %add3A_131 : i32
          %sub3A_133 = arith.constant 1 : i32
          %sub3A_134 = arith.subi %add3A_132, %sub3A_133 : i32
          %dma_start3A_135 = arith.constant 0 : i32
          %dma_start3A_136 = tpu.memref_slice %arg8[%sub3A_134, %dma_start3A_135] : memref<32x320xi32, #tpu.memory_space<vmem>> -> memref<1x320xi32, #tpu.memory_space<vmem>>
          %dma_start3A_137 = tpu.memref_squeeze %dma_start3A_136 : memref<1x320xi32, #tpu.memory_space<vmem>> -> memref<320xi32, #tpu.memory_space<vmem>>
          %dma_start3A_138 = arith.constant 0 : i32
          %dma_start3A_139 = arith.constant 0 : i32
          %dma_start3A_140 = tpu.memref_slice %arg4[%dma_start3A_138, %dma_start3A_139] : memref<10240x64xf32, #tpu.memory_space<hbm>> -> memref<10240x64xf32, #tpu.memory_space<hbm>>
          tpu.enqueue_indirect_dma source(%dma_start3A_140 : memref<10240x64xf32, #tpu.memory_space<hbm>>) target(%arg12 : memref<320x64xf32, #tpu.memory_space<vmem>>) offsets(%dma_start3A_137 : memref<320xi32, #tpu.memory_space<vmem>>) semaphore(%arg15 : memref<!tpu.dma_semaphore, #tpu.memory_space<semaphore_mem>>)
        } else {
        }
        %dma_start3A_121 = arith.constant 0 : i32
        %dma_start3A_122 = tpu.memref_slice %arg9[%scan3A_52, %dma_start3A_121] : memref<32x320xi32, #tpu.memory_space<vmem>> -> memref<1x320xi32, #tpu.memory_space<vmem>>
        %dma_start3A_123 = tpu.memref_squeeze %dma_start3A_122 : memref<1x320xi32, #tpu.memory_space<vmem>> -> memref<320xi32, #tpu.memory_space<vmem>>
        %dma_start3A_124 = arith.constant 0 : i32
        %dma_start3A_125 = arith.constant 0 : i32
        %dma_start3A_126 = tpu.memref_slice %arg7[%dma_start3A_124, %dma_start3A_125] : memref<10240x64xf32, #tpu.memory_space<vmem_shared>> -> memref<10240x64xf32, #tpu.memory_space<vmem_shared>>
        tpu.enqueue_indirect_dma source(%arg10 : memref<320x64xf32, #tpu.memory_space<vmem>>) target(%dma_start3A_126 : memref<10240x64xf32, #tpu.memory_space<vmem_shared>>) offsets(%dma_start3A_123 : memref<320xi32, #tpu.memory_space<vmem>>) semaphore(%arg16 : memref<!tpu.dma_semaphore, #tpu.memory_space<semaphore_mem>>) {add = true}
      } else {
      }
      %jit3A_65 = arith.constant 3 : i32
      %eq3A_66 = arith.constant 0 : i32
      %eq3A_67 = arith.cmpi eq, %jit3A_65, %eq3A_66 : i32
      %jit3A_68 = arith.constant 1 : i32
      %select_n3A_69 = arith.select %eq3A_67, %jit3A_68, %jit3A_65 : i32
      %rem3A_70 = arith.remsi %scan3A_52, %select_n3A_69 : i32
      %ne3A_71 = arith.constant 0 : i32
      %ne3A_72 = arith.cmpi ne, %rem3A_70, %ne3A_71 : i32
      %lt3A_73 = arith.constant 0 : i32
      %lt3A_74 = arith.cmpi slt, %rem3A_70, %lt3A_73 : i32
      %lt3A_75 = arith.constant 0 : i32
      %lt3A_76 = arith.cmpi slt, %select_n3A_69, %lt3A_75 : i32
      %ne3A_77 = arith.xori %lt3A_74, %lt3A_76 : i1
      %and3A_78 = arith.andi %ne3A_77, %ne3A_72 : i1
      %add3A_79 = arith.addi %rem3A_70, %select_n3A_69 : i32
      %select_n3A_80 = arith.select %and3A_78, %add3A_79, %rem3A_70 : i32
      %eq3A_81 = arith.constant 1 : i32
      %eq3A_82 = arith.cmpi eq, %select_n3A_80, %eq3A_81 : i32
      %convert_element_type3A_83 = arith.extui %eq3A_82 : i1 to i32
      %cond3A_84 = arith.constant 0 : i32
      %cond3A_85 = arith.cmpi ne, %convert_element_type3A_83, %cond3A_84 : i32
      scf.if %cond3A_85 {
        %dma_wait3A_107 = arith.constant 0 : i32
        %dma_wait3A_108 = tpu.memref_slice %arg8[%scan3A_52, %dma_wait3A_107] : memref<32x320xi32, #tpu.memory_space<vmem>> -> memref<1x320xi32, #tpu.memory_space<vmem>>
        %dma_wait3A_109 = tpu.memref_squeeze %dma_wait3A_108 : memref<1x320xi32, #tpu.memory_space<vmem>> -> memref<320xi32, #tpu.memory_space<vmem>>
        %dma_wait3A_110 = arith.constant 0 : i32
        %dma_wait3A_111 = arith.constant 0 : i32
        %dma_wait3A_112 = tpu.memref_slice %arg4[%dma_wait3A_110, %dma_wait3A_111] : memref<10240x64xf32, #tpu.memory_space<hbm>> -> memref<10240x64xf32, #tpu.memory_space<hbm>>
        tpu.wait_indirect_dma semaphore(%arg14 : memref<!tpu.dma_semaphore, #tpu.memory_space<semaphore_mem>>) src(%dma_wait3A_112 : memref<10240x64xf32, #tpu.memory_space<hbm>>) dst(%arg11 : memref<320x64xf32, #tpu.memory_space<vmem>>)
        %add3A_113 = arith.constant 3 : i32
        %add3A_114 = arith.addi %scan3A_52, %add3A_113 : i32
        %sub3A = arith.constant 1 : i32
        %sub3A_115 = arith.subi %add3A_114, %sub3A : i32
        %lt3A_116 = arith.constant 32 : i32
        %lt3A_117 = arith.cmpi slt, %sub3A_115, %lt3A_116 : i32
        %convert_element_type3A_118 = arith.extui %lt3A_117 : i1 to i32
        %cond3A_119 = arith.constant 0 : i32
        %cond3A_120 = arith.cmpi ne, %convert_element_type3A_118, %cond3A_119 : i32
        scf.if %cond3A_120 {
          %ge3A = arith.constant 1 : i32
          %ge3A_127 = arith.cmpi sge, %scan3A_52, %ge3A : i32
          %convert_element_type3A_128 = arith.extui %ge3A_127 : i1 to i32
          %cond3A_129 = arith.constant 0 : i32
          %cond3A_130 = arith.cmpi ne, %convert_element_type3A_128, %cond3A_129 : i32
          scf.if %cond3A_130 {
            %sub3A_141 = arith.constant 1 : i32
            %sub3A_142 = arith.subi %scan3A_52, %sub3A_141 : i32
            %dma_wait3A_143 = arith.constant 0 : i32
            %dma_wait3A_144 = tpu.memref_slice %arg9[%sub3A_142, %dma_wait3A_143] : memref<32x320xi32, #tpu.memory_space<vmem>> -> memref<1x320xi32, #tpu.memory_space<vmem>>
            %dma_wait3A_145 = tpu.memref_squeeze %dma_wait3A_144 : memref<1x320xi32, #tpu.memory_space<vmem>> -> memref<320xi32, #tpu.memory_space<vmem>>
            %dma_wait3A_146 = arith.constant 0 : i32
            %dma_wait3A_147 = arith.constant 0 : i32
            %dma_wait3A_148 = tpu.memref_slice %arg7[%dma_wait3A_146, %dma_wait3A_147] : memref<10240x64xf32, #tpu.memory_space<vmem_shared>> -> memref<10240x64xf32, #tpu.memory_space<vmem_shared>>
            tpu.wait_indirect_dma semaphore(%arg16 : memref<!tpu.dma_semaphore, #tpu.memory_space<semaphore_mem>>) src(%arg10 : memref<320x64xf32, #tpu.memory_space<vmem>>) dst(%dma_wait3A_148 : memref<10240x64xf32, #tpu.memory_space<vmem_shared>>)
          } else {
          }
          %add3A_131 = arith.constant 3 : i32
          %add3A_132 = arith.addi %scan3A_52, %add3A_131 : i32
          %sub3A_133 = arith.constant 1 : i32
          %sub3A_134 = arith.subi %add3A_132, %sub3A_133 : i32
          %dma_start3A_135 = arith.constant 0 : i32
          %dma_start3A_136 = tpu.memref_slice %arg8[%sub3A_134, %dma_start3A_135] : memref<32x320xi32, #tpu.memory_space<vmem>> -> memref<1x320xi32, #tpu.memory_space<vmem>>
          %dma_start3A_137 = tpu.memref_squeeze %dma_start3A_136 : memref<1x320xi32, #tpu.memory_space<vmem>> -> memref<320xi32, #tpu.memory_space<vmem>>
          %dma_start3A_138 = arith.constant 0 : i32
          %dma_start3A_139 = arith.constant 0 : i32
          %dma_start3A_140 = tpu.memref_slice %arg4[%dma_start3A_138, %dma_start3A_139] : memref<10240x64xf32, #tpu.memory_space<hbm>> -> memref<10240x64xf32, #tpu.memory_space<hbm>>
          tpu.enqueue_indirect_dma source(%dma_start3A_140 : memref<10240x64xf32, #tpu.memory_space<hbm>>) target(%arg10 : memref<320x64xf32, #tpu.memory_space<vmem>>) offsets(%dma_start3A_137 : memref<320xi32, #tpu.memory_space<vmem>>) semaphore(%arg13 : memref<!tpu.dma_semaphore, #tpu.memory_space<semaphore_mem>>)
        } else {
        }
        %dma_start3A_121 = arith.constant 0 : i32
        %dma_start3A_122 = tpu.memref_slice %arg9[%scan3A_52, %dma_start3A_121] : memref<32x320xi32, #tpu.memory_space<vmem>> -> memref<1x320xi32, #tpu.memory_space<vmem>>
        %dma_start3A_123 = tpu.memref_squeeze %dma_start3A_122 : memref<1x320xi32, #tpu.memory_space<vmem>> -> memref<320xi32, #tpu.memory_space<vmem>>
        %dma_start3A_124 = arith.constant 0 : i32
        %dma_start3A_125 = arith.constant 0 : i32
        %dma_start3A_126 = tpu.memref_slice %arg7[%dma_start3A_124, %dma_start3A_125] : memref<10240x64xf32, #tpu.memory_space<vmem_shared>> -> memref<10240x64xf32, #tpu.memory_space<vmem_shared>>
        tpu.enqueue_indirect_dma source(%arg11 : memref<320x64xf32, #tpu.memory_space<vmem>>) target(%dma_start3A_126 : memref<10240x64xf32, #tpu.memory_space<vmem_shared>>) offsets(%dma_start3A_123 : memref<320xi32, #tpu.memory_space<vmem>>) semaphore(%arg17 : memref<!tpu.dma_semaphore, #tpu.memory_space<semaphore_mem>>) {add = true}
      } else {
      }
      %jit3A_86 = arith.constant 3 : i32
      %eq3A_87 = arith.constant 0 : i32
      %eq3A_88 = arith.cmpi eq, %jit3A_86, %eq3A_87 : i32
      %jit3A_89 = arith.constant 1 : i32
      %select_n3A_90 = arith.select %eq3A_88, %jit3A_89, %jit3A_86 : i32
      %rem3A_91 = arith.remsi %scan3A_52, %select_n3A_90 : i32
      %ne3A_92 = arith.constant 0 : i32
      %ne3A_93 = arith.cmpi ne, %rem3A_91, %ne3A_92 : i32
      %lt3A_94 = arith.constant 0 : i32
      %lt3A_95 = arith.cmpi slt, %rem3A_91, %lt3A_94 : i32
      %lt3A_96 = arith.constant 0 : i32
      %lt3A_97 = arith.cmpi slt, %select_n3A_90, %lt3A_96 : i32
      %ne3A_98 = arith.xori %lt3A_95, %lt3A_97 : i1
      %and3A_99 = arith.andi %ne3A_98, %ne3A_93 : i1
      %add3A_100 = arith.addi %rem3A_91, %select_n3A_90 : i32
      %select_n3A_101 = arith.select %and3A_99, %add3A_100, %rem3A_91 : i32
      %eq3A_102 = arith.constant 2 : i32
      %eq3A_103 = arith.cmpi eq, %select_n3A_101, %eq3A_102 : i32
      %convert_element_type3A_104 = arith.extui %eq3A_103 : i1 to i32
      %cond3A_105 = arith.constant 0 : i32
      %cond3A_106 = arith.cmpi ne, %convert_element_type3A_104, %cond3A_105 : i32
      scf.if %cond3A_106 {
        %dma_wait3A_107 = arith.constant 0 : i32
        %dma_wait3A_108 = tpu.memref_slice %arg8[%scan3A_52, %dma_wait3A_107] : memref<32x320xi32, #tpu.memory_space<vmem>> -> memref<1x320xi32, #tpu.memory_space<vmem>>
        %dma_wait3A_109 = tpu.memref_squeeze %dma_wait3A_108 : memref<1x320xi32, #tpu.memory_space<vmem>> -> memref<320xi32, #tpu.memory_space<vmem>>
        %dma_wait3A_110 = arith.constant 0 : i32
        %dma_wait3A_111 = arith.constant 0 : i32
        %dma_wait3A_112 = tpu.memref_slice %arg4[%dma_wait3A_110, %dma_wait3A_111] : memref<10240x64xf32, #tpu.memory_space<hbm>> -> memref<10240x64xf32, #tpu.memory_space<hbm>>
        tpu.wait_indirect_dma semaphore(%arg15 : memref<!tpu.dma_semaphore, #tpu.memory_space<semaphore_mem>>) src(%dma_wait3A_112 : memref<10240x64xf32, #tpu.memory_space<hbm>>) dst(%arg12 : memref<320x64xf32, #tpu.memory_space<vmem>>)
        %add3A_113 = arith.constant 3 : i32
        %add3A_114 = arith.addi %scan3A_52, %add3A_113 : i32
        %sub3A = arith.constant 1 : i32
        %sub3A_115 = arith.subi %add3A_114, %sub3A : i32
        %lt3A_116 = arith.constant 32 : i32
        %lt3A_117 = arith.cmpi slt, %sub3A_115, %lt3A_116 : i32
        %convert_element_type3A_118 = arith.extui %lt3A_117 : i1 to i32
        %cond3A_119 = arith.constant 0 : i32
        %cond3A_120 = arith.cmpi ne, %convert_element_type3A_118, %cond3A_119 : i32
        scf.if %cond3A_120 {
          %ge3A = arith.constant 1 : i32
          %ge3A_127 = arith.cmpi sge, %scan3A_52, %ge3A : i32
          %convert_element_type3A_128 = arith.extui %ge3A_127 : i1 to i32
          %cond3A_129 = arith.constant 0 : i32
          %cond3A_130 = arith.cmpi ne, %convert_element_type3A_128, %cond3A_129 : i32
          scf.if %cond3A_130 {
            %sub3A_141 = arith.constant 1 : i32
            %sub3A_142 = arith.subi %scan3A_52, %sub3A_141 : i32
            %dma_wait3A_143 = arith.constant 0 : i32
            %dma_wait3A_144 = tpu.memref_slice %arg9[%sub3A_142, %dma_wait3A_143] : memref<32x320xi32, #tpu.memory_space<vmem>> -> memref<1x320xi32, #tpu.memory_space<vmem>>
            %dma_wait3A_145 = tpu.memref_squeeze %dma_wait3A_144 : memref<1x320xi32, #tpu.memory_space<vmem>> -> memref<320xi32, #tpu.memory_space<vmem>>
            %dma_wait3A_146 = arith.constant 0 : i32
            %dma_wait3A_147 = arith.constant 0 : i32
            %dma_wait3A_148 = tpu.memref_slice %arg7[%dma_wait3A_146, %dma_wait3A_147] : memref<10240x64xf32, #tpu.memory_space<vmem_shared>> -> memref<10240x64xf32, #tpu.memory_space<vmem_shared>>
            tpu.wait_indirect_dma semaphore(%arg17 : memref<!tpu.dma_semaphore, #tpu.memory_space<semaphore_mem>>) src(%arg11 : memref<320x64xf32, #tpu.memory_space<vmem>>) dst(%dma_wait3A_148 : memref<10240x64xf32, #tpu.memory_space<vmem_shared>>)
          } else {
          }
          %add3A_131 = arith.constant 3 : i32
          %add3A_132 = arith.addi %scan3A_52, %add3A_131 : i32
          %sub3A_133 = arith.constant 1 : i32
          %sub3A_134 = arith.subi %add3A_132, %sub3A_133 : i32
          %dma_start3A_135 = arith.constant 0 : i32
          %dma_start3A_136 = tpu.memref_slice %arg8[%sub3A_134, %dma_start3A_135] : memref<32x320xi32, #tpu.memory_space<vmem>> -> memref<1x320xi32, #tpu.memory_space<vmem>>
          %dma_start3A_137 = tpu.memref_squeeze %dma_start3A_136 : memref<1x320xi32, #tpu.memory_space<vmem>> -> memref<320xi32, #tpu.memory_space<vmem>>
          %dma_start3A_138 = arith.constant 0 : i32
          %dma_start3A_139 = arith.constant 0 : i32
          %dma_start3A_140 = tpu.memref_slice %arg4[%dma_start3A_138, %dma_start3A_139] : memref<10240x64xf32, #tpu.memory_space<hbm>> -> memref<10240x64xf32, #tpu.memory_space<hbm>>
          tpu.enqueue_indirect_dma source(%dma_start3A_140 : memref<10240x64xf32, #tpu.memory_space<hbm>>) target(%arg11 : memref<320x64xf32, #tpu.memory_space<vmem>>) offsets(%dma_start3A_137 : memref<320xi32, #tpu.memory_space<vmem>>) semaphore(%arg14 : memref<!tpu.dma_semaphore, #tpu.memory_space<semaphore_mem>>)
        } else {
        }
        %dma_start3A_121 = arith.constant 0 : i32
        %dma_start3A_122 = tpu.memref_slice %arg9[%scan3A_52, %dma_start3A_121] : memref<32x320xi32, #tpu.memory_space<vmem>> -> memref<1x320xi32, #tpu.memory_space<vmem>>
        %dma_start3A_123 = tpu.memref_squeeze %dma_start3A_122 : memref<1x320xi32, #tpu.memory_space<vmem>> -> memref<320xi32, #tpu.memory_space<vmem>>
        %dma_start3A_124 = arith.constant 0 : i32
        %dma_start3A_125 = arith.constant 0 : i32
        %dma_start3A_126 = tpu.memref_slice %arg7[%dma_start3A_124, %dma_start3A_125] : memref<10240x64xf32, #tpu.memory_space<vmem_shared>> -> memref<10240x64xf32, #tpu.memory_space<vmem_shared>>
        tpu.enqueue_indirect_dma source(%arg12 : memref<320x64xf32, #tpu.memory_space<vmem>>) target(%dma_start3A_126 : memref<10240x64xf32, #tpu.memory_space<vmem_shared>>) offsets(%dma_start3A_123 : memref<320xi32, #tpu.memory_space<vmem>>) semaphore(%arg18 : memref<!tpu.dma_semaphore, #tpu.memory_space<semaphore_mem>>) {add = true}
      } else {
      }
    }
    %scan3A_23 = arith.constant 32 : i32
    %dma_wait3A = arith.constant 29 : i32
    %dma_wait3A_24 = arith.constant 0 : i32
    %dma_wait3A_25 = tpu.memref_slice %arg9[%dma_wait3A, %dma_wait3A_24] : memref<32x320xi32, #tpu.memory_space<vmem>> -> memref<1x320xi32, #tpu.memory_space<vmem>>
    %dma_wait3A_26 = tpu.memref_squeeze %dma_wait3A_25 : memref<1x320xi32, #tpu.memory_space<vmem>> -> memref<320xi32, #tpu.memory_space<vmem>>
    %dma_wait3A_27 = arith.constant 0 : i32
    %dma_wait3A_28 = arith.constant 0 : i32
    %dma_wait3A_29 = tpu.memref_slice %arg7[%dma_wait3A_27, %dma_wait3A_28] : memref<10240x64xf32, #tpu.memory_space<vmem_shared>> -> memref<10240x64xf32, #tpu.memory_space<vmem_shared>>
    tpu.wait_indirect_dma semaphore(%arg18 : memref<!tpu.dma_semaphore, #tpu.memory_space<semaphore_mem>>) src(%arg12 : memref<320x64xf32, #tpu.memory_space<vmem>>) dst(%dma_wait3A_29 : memref<10240x64xf32, #tpu.memory_space<vmem_shared>>)
    %dma_wait3A_30 = arith.constant 30 : i32
    %dma_wait3A_31 = arith.constant 0 : i32
    %dma_wait3A_32 = tpu.memref_slice %arg9[%dma_wait3A_30, %dma_wait3A_31] : memref<32x320xi32, #tpu.memory_space<vmem>> -> memref<1x320xi32, #tpu.memory_space<vmem>>
    %dma_wait3A_33 = tpu.memref_squeeze %dma_wait3A_32 : memref<1x320xi32, #tpu.memory_space<vmem>> -> memref<320xi32, #tpu.memory_space<vmem>>
    %dma_wait3A_34 = arith.constant 0 : i32
    %dma_wait3A_35 = arith.constant 0 : i32
    %dma_wait3A_36 = tpu.memref_slice %arg7[%dma_wait3A_34, %dma_wait3A_35] : memref<10240x64xf32, #tpu.memory_space<vmem_shared>> -> memref<10240x64xf32, #tpu.memory_space<vmem_shared>>
    tpu.wait_indirect_dma semaphore(%arg16 : memref<!tpu.dma_semaphore, #tpu.memory_space<semaphore_mem>>) src(%arg10 : memref<320x64xf32, #tpu.memory_space<vmem>>) dst(%dma_wait3A_36 : memref<10240x64xf32, #tpu.memory_space<vmem_shared>>)
    %dma_wait3A_37 = arith.constant 31 : i32
    %dma_wait3A_38 = arith.constant 0 : i32
    %dma_wait3A_39 = tpu.memref_slice %arg9[%dma_wait3A_37, %dma_wait3A_38] : memref<32x320xi32, #tpu.memory_space<vmem>> -> memref<1x320xi32, #tpu.memory_space<vmem>>
    %dma_wait3A_40 = tpu.memref_squeeze %dma_wait3A_39 : memref<1x320xi32, #tpu.memory_space<vmem>> -> memref<320xi32, #tpu.memory_space<vmem>>
    %dma_wait3A_41 = arith.constant 0 : i32
    %dma_wait3A_42 = arith.constant 0 : i32
    %dma_wait3A_43 = tpu.memref_slice %arg7[%dma_wait3A_41, %dma_wait3A_42] : memref<10240x64xf32, #tpu.memory_space<vmem_shared>> -> memref<10240x64xf32, #tpu.memory_space<vmem_shared>>
    tpu.wait_indirect_dma semaphore(%arg17 : memref<!tpu.dma_semaphore, #tpu.memory_space<semaphore_mem>>) src(%arg11 : memref<320x64xf32, #tpu.memory_space<vmem>>) dst(%dma_wait3A_43 : memref<10240x64xf32, #tpu.memory_space<vmem_shared>>)
    %barrier3A_44 = arith.constant 0 : index
    tpu.barrier barrier_id(%barrier3A_44)
    %mul3A_45 = arith.constant 640 : i32
    %mul3A_46 = arith.muli %arg1, %mul3A_45 : i32
    %mul3A_47 = arith.constant 10240 : i32
    %mul3A_48 = arith.muli %arg0, %mul3A_47 : i32
    %mul3A_49 = arith.constant 640 : i32
    %mul3A_50 = arith.muli %arg1, %mul3A_49 : i32
    %add3A_51 = arith.addi %mul3A_48, %mul3A_50 : i32
    "tpu.region"() ({
      %run_scoped3A = tpu.sem_alloc : memref<!tpu.dma_semaphore, #tpu.memory_space<semaphore_mem>>
      %dma_start3A_52 = arith.constant 0 : i32
      %dma_start3A_53 = tpu.memref_slice %arg6[%add3A_51, %dma_start3A_52] : memref<20480x64xf32, #tpu.memory_space<hbm>> -> memref<640x64xf32, #tpu.memory_space<hbm>>
      %dma_start3A_54 = arith.constant 0 : i32
      %dma_start3A_55 = tpu.memref_slice %arg7[%mul3A_46, %dma_start3A_54] : memref<10240x64xf32, #tpu.memory_space<vmem_shared>> -> memref<640x64xf32, #tpu.memory_space<vmem_shared>>
      tpu.enqueue_dma source(%dma_start3A_55 : memref<640x64xf32, #tpu.memory_space<vmem_shared>>) target(%dma_start3A_53 : memref<640x64xf32, #tpu.memory_space<hbm>>) target_semaphore(%run_scoped3A : memref<!tpu.dma_semaphore, #tpu.memory_space<semaphore_mem>>)
      %dma_wait3A_56 = arith.constant 0 : i32
      %dma_wait3A_57 = tpu.memref_slice %arg6[%add3A_51, %dma_wait3A_56] : memref<20480x64xf32, #tpu.memory_space<hbm>> -> memref<640x64xf32, #tpu.memory_space<hbm>>
      %dma_wait3A_58 = arith.constant 0 : i32
      %dma_wait3A_59 = tpu.memref_slice %arg7[%mul3A_46, %dma_wait3A_58] : memref<10240x64xf32, #tpu.memory_space<vmem_shared>> -> memref<640x64xf32, #tpu.memory_space<vmem_shared>>
      tpu.wait_dma2 semaphore(%run_scoped3A : memref<!tpu.dma_semaphore, #tpu.memory_space<semaphore_mem>>) src(%dma_wait3A_59 : memref<640x64xf32, #tpu.memory_space<vmem_shared>>) dst(%dma_wait3A_57 : memref<640x64xf32, #tpu.memory_space<hbm>>)
      tpu.yield
    }) : () -> ()
    return
  }
}

module attributes {stable_mosaic.version = 14 : i64} {
  func.func @_tc_dense1_body(%arg0: memref<10240x128xf32, #tpu.memory_space<vmem>>, %arg1: memref<128x64xf32, #tpu.memory_space<vmem>>, %arg2: memref<20480x8xf32, #tpu.memory_space<vmem>>, %arg3: memref<10240x64xf32, #tpu.memory_space<vmem>>, %arg4: memref<10240x1xf32, #tpu.memory_space<vmem>>) attributes {dimension_semantics = [], scalar_prefetch = 0 : i64, scratch_operands = 0 : i64, tpu.core_type = #tpu.core_type<tc>} {
    %get3A = arith.constant 0 : index
    %get3A_0 = arith.constant 0 : index
    %get3A_1 = vector.load %arg2[%get3A, %get3A_0] : memref<20480x8xf32, #tpu.memory_space<vmem>>, vector<10240x1xf32>
    %get3A_2 = arith.constant 10240 : index
    %get3A_3 = arith.constant 0 : index
    %get3A_4 = vector.load %arg2[%get3A_2, %get3A_3] : memref<20480x8xf32, #tpu.memory_space<vmem>>, vector<10240x1xf32>
    %add3A = arith.addf %get3A_1, %get3A_4 : vector<10240x1xf32>
    %add3A_5 = arith.constant 1.000000e+00 : f32
    %add3A_6 = vector.broadcast %add3A_5 : f32 to vector<10240x1xf32>
    %add3A_7 = arith.addf %add3A, %add3A_6 : vector<10240x1xf32>
    %rsqrt3A = math.rsqrt %add3A_7 : vector<10240x1xf32>
    %get3A_8 = arith.constant 0 : index
    %get3A_9 = arith.constant 0 : index
    %get3A_10 = vector.load %arg0[%get3A_8, %get3A_9] : memref<10240x128xf32, #tpu.memory_space<vmem>>, vector<10240x128xf32>
    %get3A_11 = arith.constant 0 : index
    %get3A_12 = arith.constant 0 : index
    %get3A_13 = vector.load %arg1[%get3A_11, %get3A_12] : memref<128x64xf32, #tpu.memory_space<vmem>>, vector<128x64xf32>
    %dot_general3A = arith.constant dense<0.000000e+00> : vector<10240x64xf32>
    %dot_general3A_14 = tpu.matmul %get3A_10, %get3A_13, %dot_general3A {dimension_numbers = #tpu.dot_dimension_numbers<[1], [0], [0], [1], [0, 0, 1, 1], [], []>, transpose_lhs_hint = false} : vector<10240x128xf32>, vector<128x64xf32>, vector<10240x64xf32> -> vector<10240x64xf32>
    %mul3A = vector.broadcast %rsqrt3A : vector<10240x1xf32> to vector<10240x64xf32>
    %mul3A_15 = arith.mulf %dot_general3A_14, %mul3A : vector<10240x64xf32>
    %swap3A = arith.constant 0 : index
    %swap3A_16 = arith.constant 0 : index
    %swap3A_17 = vector.load %arg3[%swap3A, %swap3A_16] : memref<10240x64xf32, #tpu.memory_space<vmem>>, vector<10240x64xf32>
    tpu.vector_store %arg3[%swap3A, %swap3A_16], %mul3A_15 {strides = array<i32>} : memref<10240x64xf32, #tpu.memory_space<vmem>>, vector<10240x64xf32>,
    %swap3A_18 = arith.constant 0 : index
    %swap3A_19 = arith.constant 0 : index
    %swap3A_20 = vector.load %arg4[%swap3A_18, %swap3A_19] : memref<10240x1xf32, #tpu.memory_space<vmem>>, vector<10240x1xf32>
    tpu.vector_store %arg4[%swap3A_18, %swap3A_19], %rsqrt3A {strides = array<i32>} : memref<10240x1xf32, #tpu.memory_space<vmem>>, vector<10240x1xf32>,
    return
  }
}

module attributes {stable_mosaic.version = 14 : i64} {
  func.func @_tc_dense2_body(%arg0: memref<20480x64xf32, #tpu.memory_space<vmem>>, %arg1: memref<10240x64xf32, #tpu.memory_space<vmem>>, %arg2: memref<10240x1xf32, #tpu.memory_space<vmem>>, %arg3: memref<1x64xf32, #tpu.memory_space<vmem>>, %arg4: memref<64x64xf32, #tpu.memory_space<vmem>>, %arg5: memref<10240x64xf32, #tpu.memory_space<vmem>>) attributes {dimension_semantics = [], scalar_prefetch = 0 : i64, scratch_operands = 0 : i64, tpu.core_type = #tpu.core_type<tc>} {
    %get3A = arith.constant 0 : index
    %get3A_0 = arith.constant 0 : index
    %get3A_1 = vector.load %arg2[%get3A, %get3A_0] : memref<10240x1xf32, #tpu.memory_space<vmem>>, vector<10240x1xf32>
    %get3A_2 = arith.constant 0 : index
    %get3A_3 = arith.constant 0 : index
    %get3A_4 = vector.load %arg0[%get3A_2, %get3A_3] : memref<20480x64xf32, #tpu.memory_space<vmem>>, vector<10240x64xf32>
    %get3A_5 = arith.constant 10240 : index
    %get3A_6 = arith.constant 0 : index
    %get3A_7 = vector.load %arg0[%get3A_5, %get3A_6] : memref<20480x64xf32, #tpu.memory_space<vmem>>, vector<10240x64xf32>
    %add3A = arith.addf %get3A_4, %get3A_7 : vector<10240x64xf32>
    %get3A_8 = arith.constant 0 : index
    %get3A_9 = arith.constant 0 : index
    %get3A_10 = vector.load %arg1[%get3A_8, %get3A_9] : memref<10240x64xf32, #tpu.memory_space<vmem>>, vector<10240x64xf32>
    %add3A_11 = arith.addf %add3A, %get3A_10 : vector<10240x64xf32>
    %mul3A = vector.broadcast %get3A_1 : vector<10240x1xf32> to vector<10240x64xf32>
    %mul3A_12 = arith.mulf %mul3A, %add3A_11 : vector<10240x64xf32>
    %get3A_13 = arith.constant 0 : index
    %get3A_14 = arith.constant 0 : index
    %get3A_15 = vector.load %arg3[%get3A_13, %get3A_14] : memref<1x64xf32, #tpu.memory_space<vmem>>, vector<1x64xf32>
    %add3A_16 = vector.broadcast %get3A_15 : vector<1x64xf32> to vector<10240x64xf32>
    %add3A_17 = arith.addf %mul3A_12, %add3A_16 : vector<10240x64xf32>
    %max3A = arith.constant 0.000000e+00 : f32
    %max3A_18 = vector.broadcast %max3A : f32 to vector<10240x64xf32>
    %max3A_19 = arith.maximumf %add3A_17, %max3A_18 : vector<10240x64xf32>
    %get3A_20 = arith.constant 0 : index
    %get3A_21 = arith.constant 0 : index
    %get3A_22 = vector.load %arg4[%get3A_20, %get3A_21] : memref<64x64xf32, #tpu.memory_space<vmem>>, vector<64x64xf32>
    %dot_general3A = arith.constant dense<0.000000e+00> : vector<10240x64xf32>
    %dot_general3A_23 = tpu.matmul %max3A_19, %get3A_22, %dot_general3A {dimension_numbers = #tpu.dot_dimension_numbers<[1], [0], [0], [1], [0, 0, 1, 1], [], []>, transpose_lhs_hint = false} : vector<10240x64xf32>, vector<64x64xf32>, vector<10240x64xf32> -> vector<10240x64xf32>
    %mul3A_24 = vector.broadcast %get3A_1 : vector<10240x1xf32> to vector<10240x64xf32>
    %mul3A_25 = arith.mulf %dot_general3A_23, %mul3A_24 : vector<10240x64xf32>
    %swap3A = arith.constant 0 : index
    %swap3A_26 = arith.constant 0 : index
    %swap3A_27 = vector.load %arg5[%swap3A, %swap3A_26] : memref<10240x64xf32, #tpu.memory_space<vmem>>, vector<10240x64xf32>
    tpu.vector_store %arg5[%swap3A, %swap3A_26], %mul3A_25 {strides = array<i32>} : memref<10240x64xf32, #tpu.memory_space<vmem>>, vector<10240x64xf32>,
    return
  }
}

module attributes {stable_mosaic.version = 14 : i64} {
  func.func @_tc_final_body(%arg0: memref<20480x64xf32, #tpu.memory_space<vmem>>, %arg1: memref<10240x64xf32, #tpu.memory_space<vmem>>, %arg2: memref<10240x1xf32, #tpu.memory_space<vmem>>, %arg3: memref<1x64xf32, #tpu.memory_space<vmem>>, %arg4: memref<10240x1xi32, #tpu.memory_space<vmem>>, %arg5: memref<64x10xf32, #tpu.memory_space<vmem>>, %arg6: memref<1x10xf32, #tpu.memory_space<vmem>>, %arg7: memref<64x10xf32, #tpu.memory_space<vmem>>) attributes {dimension_semantics = [], scalar_prefetch = 0 : i64, scratch_operands = 0 : i64, tpu.core_type = #tpu.core_type<tc>} {
    %get3A = arith.constant 0 : index
    %get3A_0 = arith.constant 0 : index
    %get3A_1 = vector.load %arg2[%get3A, %get3A_0] : memref<10240x1xf32, #tpu.memory_space<vmem>>, vector<10240x1xf32>
    %get3A_2 = arith.constant 0 : index
    %get3A_3 = arith.constant 0 : index
    %get3A_4 = vector.load %arg0[%get3A_2, %get3A_3] : memref<20480x64xf32, #tpu.memory_space<vmem>>, vector<10240x64xf32>
    %get3A_5 = arith.constant 10240 : index
    %get3A_6 = arith.constant 0 : index
    %get3A_7 = vector.load %arg0[%get3A_5, %get3A_6] : memref<20480x64xf32, #tpu.memory_space<vmem>>, vector<10240x64xf32>
    %add3A = arith.addf %get3A_4, %get3A_7 : vector<10240x64xf32>
    %get3A_8 = arith.constant 0 : index
    %get3A_9 = arith.constant 0 : index
    %get3A_10 = vector.load %arg1[%get3A_8, %get3A_9] : memref<10240x64xf32, #tpu.memory_space<vmem>>, vector<10240x64xf32>
    %add3A_11 = arith.addf %add3A, %get3A_10 : vector<10240x64xf32>
    %mul3A = vector.broadcast %get3A_1 : vector<10240x1xf32> to vector<10240x64xf32>
    %mul3A_12 = arith.mulf %mul3A, %add3A_11 : vector<10240x64xf32>
    %get3A_13 = arith.constant 0 : index
    %get3A_14 = arith.constant 0 : index
    %get3A_15 = vector.load %arg3[%get3A_13, %get3A_14] : memref<1x64xf32, #tpu.memory_space<vmem>>, vector<1x64xf32>
    %add3A_16 = vector.broadcast %get3A_15 : vector<1x64xf32> to vector<10240x64xf32>
    %add3A_17 = arith.addf %mul3A_12, %add3A_16 : vector<10240x64xf32>
    %max3A = arith.constant 0.000000e+00 : f32
    %max3A_18 = vector.broadcast %max3A : f32 to vector<10240x64xf32>
    %max3A_19 = arith.maximumf %add3A_17, %max3A_18 : vector<10240x64xf32>
    %iota3A = tpu.iota {dimensions = array<i32: 1>} : vector<1x64xi32>
    %get3A_20 = arith.constant 0 : index
    %get3A_21 = arith.constant 0 : index
    %get3A_22 = vector.load %arg4[%get3A_20, %get3A_21] : memref<10240x1xi32, #tpu.memory_space<vmem>>, vector<10240x1xi32>
    %eq3A = vector.broadcast %get3A_22 : vector<10240x1xi32> to vector<10240x64xi32>
    %eq3A_23 = vector.broadcast %iota3A : vector<1x64xi32> to vector<10240x64xi32>
    %eq3A_24 = arith.cmpi eq, %eq3A, %eq3A_23 : vector<10240x64xi32>
    %convert_element_type3A = arith.extui %eq3A_24 : vector<10240x64xi1> to vector<10240x64xi32>
    %convert_element_type3A_25 = arith.sitofp %convert_element_type3A : vector<10240x64xi32> to vector<10240x64xf32>
    %dot_general3A = arith.constant dense<0.000000e+00> : vector<64x64xf32>
    %dot_general3A_26 = tpu.matmul %convert_element_type3A_25, %max3A_19, %dot_general3A {dimension_numbers = #tpu.dot_dimension_numbers<[0], [0], [1], [1], [0, 1, 1, 1], [], []>, transpose_lhs_hint = false} : vector<10240x64xf32>, vector<10240x64xf32>, vector<64x64xf32> -> vector<64x64xf32>
    %reduce_sum3A = arith.constant dense<0.000000e+00> : vector<64xf32>
    %reduce_sum3A_27 = vector.multi_reduction <add>, %convert_element_type3A_25, %reduce_sum3A [0] : vector<10240x64xf32> to vector<64xf32>
    %broadcast_in_dim3A = vector.shape_cast %reduce_sum3A_27 : vector<64xf32> to vector<64x1xf32>
    %max3A_28 = arith.constant 1.000000e+00 : f32
    %max3A_29 = vector.broadcast %max3A_28 : f32 to vector<64x1xf32>
    %max3A_30 = arith.maximumf %broadcast_in_dim3A, %max3A_29 : vector<64x1xf32>
    %div3A = vector.broadcast %max3A_30 : vector<64x1xf32> to vector<64x64xf32>
    %div3A_31 = arith.divf %dot_general3A_26, %div3A : vector<64x64xf32>
    %get3A_32 = arith.constant 0 : index
    %get3A_33 = arith.constant 0 : index
    %get3A_34 = vector.load %arg5[%get3A_32, %get3A_33] : memref<64x10xf32, #tpu.memory_space<vmem>>, vector<64x10xf32>
    %dot_general3A_35 = arith.constant dense<0.000000e+00> : vector<64x10xf32>
    %dot_general3A_36 = tpu.matmul %div3A_31, %get3A_34, %dot_general3A_35 {dimension_numbers = #tpu.dot_dimension_numbers<[1], [0], [0], [1], [0, 0, 1, 1], [], []>, transpose_lhs_hint = false} : vector<64x64xf32>, vector<64x10xf32>, vector<64x10xf32> -> vector<64x10xf32>
    %get3A_37 = arith.constant 0 : index
    %get3A_38 = arith.constant 0 : index
    %get3A_39 = vector.load %arg6[%get3A_37, %get3A_38] : memref<1x10xf32, #tpu.memory_space<vmem>>, vector<1x10xf32>
    %add3A_40 = vector.broadcast %get3A_39 : vector<1x10xf32> to vector<64x10xf32>
    %add3A_41 = arith.addf %dot_general3A_36, %add3A_40 : vector<64x10xf32>
    %swap3A = arith.constant 0 : index
    %swap3A_42 = arith.constant 0 : index
    %swap3A_43 = vector.load %arg7[%swap3A, %swap3A_42] : memref<64x10xf32, #tpu.memory_space<vmem>>, vector<64x10xf32>
    tpu.vector_store %arg7[%swap3A, %swap3A_42], %add3A_41 {strides = array<i32>} : memref<64x10xf32, #tpu.memory_space<vmem>>, vector<64x10xf32>,
    return
  }
}

</mosaic_0001>

<sc_bundles>
// kernel: kernel.11.cloned.1.call-start
scs
__scs_entry_jumppad:
0x0: {  	(pc) =	sbr.rel $0x88, $3  }
0x1: {  	(tag) =	ssettag $0x0;
	lr =	simm.s32 $0x1  }
0x2: {  	[smem:$0x3F98] =	sst lr;
	_ =	strace $0xD0000000  }
0x3: {  	_ = 	snop  }
0x4: {  	_ = 	snop  }
0x5: {  	_ = 	snop  }
0x6: {  	_ = 	snop  }
0x7: {  	_ = 	snop  }
__scs_overlays_trampoline_lowered:
0x8: {  	[smem:$0x3FA7] =	sst s0  }
0x9: {  	[smem:$0x3FA8] =	sst s1  }
0xa: {  	[smem:$0x3FA9] =	sst s2  }
0xb: {  	[smem:$0x3FAA] =	sst s3  }
0xc: {  	[smem:$0x3FAB] =	sst s4  }
0xd: {  	[smem:$0x3FAC] =	sst s5  }
0xe: {  	[smem:$0x3FAD] =	sst s6  }
0xf: {  	[smem:$0x3FAE] =	sst s7  }
0x10: {  	[smem:$0x3FAF] =	sst s8  }
0x11: {  	[smem:$0x3FB0] =	sst s9;
	s0 =	simm.s32 @!p0 $0x0  }
0x12: {  	s1 =	sld [smem:$0x3F96];
	s0 =	simm.s32 @p0 $0x1  }
0x13: {  	[smem:$0x3FB1] =	sst s0;
	s0 =	simm.s32 @!p1 $0x0  }
0x14: {  	s2 =	sld [smem:$0x3F95];
	s0 =	simm.s32 @p1 $0x1  }
0x15: {  	[smem:$0x3FB2] =	sst s0;
	s0 =	simm.s32 @!p2 $0x0  }
0x16: {  	s3 =	sld [smem:$0x3FDB];
	s0 =	simm.s32 @p2 $0x1  }
0x17: {  	s4 =	simm.s32 $0x1BF5;
	[smem:$0x3FB4] =	sst s0  }
0x18: {  	s0 =	sld [smem:$0x3F97];
	_ =	swait.ge [sflag:s4], $0x0  }
0x19: {  	s7 =	sld [smem:$0x3F98]  }
0x1a: {  	s8 =	sadd.s32 $0xFFFFE003, lr  }
0x1b: {  	s9 =	sadd.s32 $0xFFFFFEF7, lr;
	s5 =	simm.s32 $0xFFFFFFFF;
	p2 =	slt.u32 s8, $0xFFFFF086  }
0x1c: {  	p1 =	slt.u32 s9, $0xF7A;
	s5 =	simm.s32 @!p2 $0x0  }
0x1d: {  	s5 =	simm.s32 @p1 $0x1;
	p0 =	seq.s32 s7, s2  }
0x1e: {  	s7 =	smul.u32 @!p0 $0xF7A, s2;
	p2 =	seq.s32 @!p0 s5, $0x0  }
0x1f: {  	s9 =	smul.u32 $0xF7A, s1;
	s8 =	simm.s32 @!p0 $0x1BF5;
	p2 =	por !p2, p0  }
0x20: {  	[sflag:s8] =	ssyncset.s32 @!p0 $0xFFFFF086;
	s6 =	sadd.s32 @!p0 s3, s7;
	s7 =	simm.s32 @!p0 $0x108  }
0x21: {  	s3 =	sadd.s32 s3, s9;
	s6 =	sadd.s32 @!p0 $0x88, s6;
	s7 =	simm.s32 @p2 $0x1082  }
0x22: {  	[simem:s7], [sflag:s8] =	dma.local @!p0 [hbm:s6], $0xF7A  }
0x23: {  	s9 =	sor.u32 $0xD0000000, s2;
	s6 =	simm.s32 $0x108;
	_ =	swait.ge @!p0 [sflag:s8], $0x0  }
0x24: {  	s3 =	sadd.s32 $0x88, s3;
	s6 =	simm.s32 @!p1 $0x1082;
	[sflag:s4] =	ssyncset.s32 $0xFFFFF086  }
0x25: {  	[simem:s6], [sflag:s4] =	dma.local [hbm:s3], $0xF7A  }
0x26: {  	[smem:$0x3F98] =	sst s1;
	(tag) =	ssettag s2;
	_ =	strace s9  }
0x27: {  	s1 =	sld [smem:$0x3FA8]  }
0x28: {  	s2 =	sld [smem:$0x3FA9]  }
0x29: {  	s4 =	sld [smem:$0x3FAB]  }
0x2a: {  	p0 =	seq.s32 s5, $0x0;
	s5 =	sld [smem:$0x3FAC]  }
0x2b: {  	s6 =	sld [smem:$0x3FAD]  }
0x2c: {  	s7 =	sld [smem:$0x3FAE]  }
0x2d: {  	s3 =	simm.s32 $0x108;
	s8 =	sld [smem:$0x3FAF]  }
0x2e: {  	s3 =	simm.s32 @!p0 $0x1082;
	s9 =	sld [smem:$0x3FB0]  }
0x2f: {  	lr =	sadd.s32 s0, s3;
	s0 =	sld [smem:$0x3FA7]  }
0x30: {  	s3 =	sld [smem:$0x3FAA]  }
0x31: {  	[smem:$0x3FB3] =	sst s10  }
0x32: {  	s10 =	sld [smem:$0x3FB1];
	_ =	sdelay $0x3  }
0x33: {  	p0 =	seq.s32 s10, $0x1;
	s10 =	sld [smem:$0x3FB3];
	_ =	sdelay $0x3  }
0x34: {  	[smem:$0x3FB3] =	sst s10  }
0x35: {  	s10 =	sld [smem:$0x3FB2];
	_ =	sdelay $0x3  }
0x36: {  	p1 =	seq.s32 s10, $0x1;
	s10 =	sld [smem:$0x3FB3];
	_ =	sdelay $0x3  }
0x37: {  	[smem:$0x3FB3] =	sst s10  }
0x38: {  	s10 =	sld [smem:$0x3FB4]  }
0x39: {  	_ = 	snop;
	(pc) =	sbr.ind lr, $3  }
0x3a: {  	_ = 	snop  }
0x3b: {  	_ = 	snop  }
0x3c: {  	p2 =	seq.s32 s10, $0x1;
	s10 =	sld [smem:$0x3FB3]  }
0x3d: {  	_ =	shalt  }
0x3e: {  	_ =	shalt  }
0x3f: {  	_ =	shalt  }
0x40: {  	_ =	shalt  }
0x41: {  	_ =	shalt  }
0x42: {  	_ =	shalt  }
0x43: {  	_ =	shalt  }
0x44: {  	_ =	shalt  }
0x45: {  	_ =	shalt  }
0x46: {  	_ =	shalt  }
0x47: {  	_ =	shalt  }
0x48: {  	_ =	shalt  }
0x49: {  	_ =	shalt  }
0x4a: {  	_ =	shalt  }
0x4b: {  	_ =	shalt  }
0x4c: {  	_ =	shalt  }
0x4d: {  	_ =	shalt  }
0x4e: {  	_ =	shalt  }
0x4f: {  	_ =	shalt  }
0x50: {  	_ =	shalt  }
0x51: {  	_ =	shalt  }
0x52: {  	_ =	shalt  }
0x53: {  	_ =	shalt  }
0x54: {  	_ =	shalt  }
0x55: {  	_ =	shalt  }
0x56: {  	_ =	shalt  }
0x57: {  	_ =	shalt  }
0x58: {  	_ =	shalt  }
0x59: {  	_ =	shalt  }
0x5a: {  	_ =	shalt  }
0x5b: {  	_ =	shalt  }
0x5c: {  	_ =	shalt  }
0x5d: {  	_ =	shalt  }
0x5e: {  	_ =	shalt  }
0x5f: {  	_ =	shalt  }
0x60: {  	_ =	shalt  }
0x61: {  	_ =	shalt  }
0x62: {  	_ =	shalt  }
0x63: {  	_ =	shalt  }
0x64: {  	_ =	shalt  }
0x65: {  	_ =	shalt  }
0x66: {  	_ =	shalt  }
0x67: {  	_ =	shalt  }
0x68: {  	_ =	shalt  }
0x69: {  	_ =	shalt  }
0x6a: {  	_ =	shalt  }
0x6b: {  	_ =	shalt  }
0x6c: {  	_ =	shalt  }
0x6d: {  	_ =	shalt  }
0x6e: {  	_ =	shalt  }
0x6f: {  	_ =	shalt  }
0x70: {  	_ =	shalt  }
0x71: {  	_ =	shalt  }
0x72: {  	_ =	shalt  }
0x73: {  	_ =	shalt  }
0x74: {  	_ =	shalt  }
0x75: {  	_ =	shalt  }
0x76: {  	_ =	shalt  }
0x77: {  	_ =	shalt  }
0x78: {  	_ =	shalt  }
0x79: {  	_ =	shalt  }
0x7a: {  	_ =	shalt  }
0x7b: {  	_ =	shalt  }
0x7c: {  	_ =	shalt  }
0x7d: {  	_ =	shalt  }
0x7e: {  	_ =	shalt  }
0x7f: {  	_ =	shalt  }
0x80: {  	_ =	shalt  }
0x81: {  	_ =	shalt  }
0x82: {  	_ =	shalt  }
0x83: {  	_ =	shalt  }
0x84: {  	_ =	shalt  }
0x85: {  	_ =	shalt  }
0x86: {  	_ =	shalt  }
0x87: {  	_ =	shalt  }
.Lfunc_end0:
.L_simem_size_0:
called_computation.1_lowered:
.L_overlay_start_0:
0x88: {  	s2 =	sld [smem:$0x3FD9]  }
0x89: {  	s3 =	sld [smem:$0x3FFE];
	_ =	sdelay $0x1  }
0x8a: {  	s1 =	srdreg.scid  }
0x8b: {  	s0 =	sand.u32 $0x1, s1  }
0x8c: {  	s16 =	sshll.u32 s0, $0xA;
	s2 =	sadd.s32 s3, s2  }
0x8d: {  	s2 =	sadd.s32 s2, s16  }
0x8e: {  	[smem:$0x3FBF] =	sst s2  }
0x8f: {  	_ = 	snop  }
0x90: {  	(tm) =	ssettm $0x1  }
0x91: {  	s17 =	sld [smem:$0x3FFB];
	_ =	sdelay $0x3  }
0x92: {  	_ =	strace s17  }
0x93: {  	s2 =	sld [smem:$0x3FFC];
	_ =	sdelay $0x3  }
0x94: {  	_ =	strace s2  }
0x95: {  	s2 =	sld [smem:$0x3FFD];
	_ =	sdelay $0x3  }
0x96: {  	_ =	strace s2  }
0x97: {  	_ =	strace $0x8FFFFFFF  }
0x98: {  	s18 =	sld [smem:$0x3FDB];
	_ =	sdelay $0x1  }
0x99: {  	s19 =	simm.s32 $_scs_section_size  }
0x9a: {  	s4 =	simm.s32 $_size__tile_overlayer_lowered;
	s5 =	simm.s32 $_tile_overlayer_lowered  }
0x9b: {  	s22 =	simm.s32 $0x1BFF;
	s21 =	sshll.u32 s5, $0x1;
	s2 =	sadd.s32 s19, s18  }
0x9c: {  	s6 =	simm.s32 $0x0;
	s20 =	sshll.u32 s4, $0x1;
	s4 =	sadd.s32 s21, s2  }
0x9d: {  	[timem:s6], [sflag:s22] =	dma.local [hbm:s4], s20  }
0x9e: {  	_ =	swait.ge [sflag:s22], s20  }
0x9f: {  	s3 =	ssub.s32 $0x0, s20;
	[sflag:s22] =	ssyncset.done $0x0  }
0xa0: {  	[sflag:s22] =	ssyncadd.s32 s3;
	_ =	sdelay $0x1  }
0xa1: {  	s23 =	simm.s32 $0x1B8B  }
0xa2: {  	_ =	swait.ge [sflag:s23], $0x1  }
0xa3: {  	[sflag:s23] =	ssyncset.done $0x0  }
0xa4: {  	s25 =	simm.s32 $0x1B8E;
	s24 =	sld [smem:$0x3FFE];
	[sflag:s23] =	ssyncadd.s32 $0xFFFFFFFF  }
0xa5: {  	s26 =	simm.s32 $execute0_lowered;
	[smem:$0x3FD2] =	sst s25  }
0xa6: {  	s4 =	sshll.u32 s26, $0x1;
	_ =	strace $0x80000049;
	[dreg:$0x1] =	wrdreg $0xFFFFFFFF  }
0xa7: {  	s28 =	simm.s32 $_size_execute0_lowered;
	s2 =	sadd.s32 s2, s4;
	[dreg:$0x0] =	wrdreg $0x0  }
0xa8: {  	s4 =	sshll.u32 s28, $0x1;
	[dreg:$0x2] =	wrdreg s2  }
0xa9: {  	[dreg:$0x3] =	wrdreg s4  }
0xaa: {  	[dreg:$0x4] =	wrdreg $0xC0  }
0xab: {  	_ =	task [dreg:s6], $0x5FFFF  }
0xac: {  	[dreg:$0x1] =	wrdreg $0xFFFFFFFF  }
0xad: {  	[dreg:$0x0] =	wrdreg $0x60  }
0xae: {  	[dreg:$0x2] =	wrdreg s24  }
0xaf: {  	[dreg:$0x3] =	wrdreg $0x0  }
0xb0: {  	[dreg:$0x4] =	wrdreg $0x9  }
0xb1: {  	_ =	task.clear_ibuf [dreg:s6], $0x5FFFF;
	_ =	strace $0x90000049  }
0xb2: {  	s29 =	simm.s32 $0x9;
	_ =	strace $0x8000004B  }
0xb3: {  	_ =	swait.ge [sflag:s29], $0x1  }
0xb4: {  	[sflag:s29] =	ssyncadd.s32 $0xFFFFFFFF  }
0xb5: {  	_ =	strace $0x9000004B  }
0xb6: {  	_ =	sfence  }
0xb7: {  	s30 =	sld [smem:$0x0];
	_ =	sdelay $0x2  }
0xb8: {  	s31 =	sshll.u32 s1, $0xD;
	s1 =	sshrl.u32 s1, $0x2  }
0xb9: {  	s3 =	sand.u32 $0x4000, s31;
	s1 =	sadd.s32 s1, s30  }
0xba: {  	s0 =	sor.u32 s3, s0;
	s1 =	sshll.u32 s1, $0x11  }
0xbb: {  	s0 =	sor.u32 s1, s0  }
0xbc: {  	s0 =	sadd.s32 $0x8F2B, s0  }
0xbd: {  	[sflag:s0] =	ssyncadd.remote.s32 $0x1  }
0xbe: {  	_ =	sfence.sel $0xFFFF  }
0xbf: {  	[dreg:$0x0] =	wrdreg $0xFFFFFFFF;
	(pc) =	sbr.abs _section_cstart, $3  }
0xc0: {  	[dreg:$0x1] =	wrdreg $0xFFFFFFFF  }
0xc1: {  	_ =	task.clear_ibuf [dreg:s6], $0x2FFFF;
	_ =	strace $0x9FFFFFFF  }
0xc2: {  	(tm) =	ssettm $0x7FFFFFFF  }
0xc3: {  	_ =	shalt  }
tec
execute0_lowered:
.L_overlay_start_1:
0x0: {  	(tag) =	ssettag $0x1  }
0x1: {  	s1 =	srdreg.scid  }
0x2: {  	s0 =	stileid.u32;
	s6 =	rddreg [dreg:$0x0]  }
0x3: {  	s3 =	simm.s32 $0x0;
	s14 =	simm.s32 $0x140;
	s15 =	simm.s32 $0xF000  }
0x4: {  	s16 =	simm.s32 $0xA140;
	s17 =	simm.s32 $0x14000;
	s18 =	simm.s32 $0x3  }
0x5: {  	s19 =	simm.s32 $0x19000;
	s20 =	simm.s32 $0x6;
	s21 =	simm.s32 $0x4  }
0x6: {  	s22 =	simm.s32 $0x5;
	s23 =	simm.s32 $0x2;
	s24 =	simm.s32 $0x1  }
0x7: {  	s25 =	simm.s32 $0x0;
	s5 =	sand.u32 $0x1, s1;
	s7 =	smul.u32 $0x1400, s0  }
0x8: {  	s2 =	sshll.u32 s0, $0x5;
	[smem:$0x7FF] =	sst s3;
	s10 =	smul.u32 $0x28000, s0  }
0x9: {  	s31 =	sshll.u32 s0, $0x6;
	s1 =	sshll.u32 s5, $0x9;
	s8 =	smul.u32 $0x14000, s5  }
0xa: {  	s28 =	ssub.s32 $0x2, s5;
	s5 =	sadd.s32 $0x29E00, s6;
	s1 =	sor.u32 s2, s1  }
0xb: {  	s2 =	rddreg [dreg:$0x1];
	s29 =	sshrl.u32 s28, $0x1;
	s30 =	sshrl.u32 s10, $0x2  }
0xc: {  	s4 =	smul.u32 $0x28, s1;
	s1 =	rddreg [dreg:$0x2];
	_ =	strace $0x8000004A  }
.Ltmp0:
0xd: {  	s7 =	sadd.s32 s7, s8;
	s12 =	ssub.s32 s28, s29;
	(pc) =	sbr.rel .LBB2_1-.Ltmp0, $4  }
0xe: {  	s13 =	sadd.s32 s30, s2;
	s11 =	sadd.s32 s7, s6;
	s10 =	smax.u32 s12, $0x1  }
0xf: {  	s12 =	simm.s32 $0x7;
	s9 =	sadd.s32 s4, s6;
	s4 =	sadd.s32 $0x15E00, s6  }
0x10: {  	s6 =	sor.u32 $0x1C07, s31;
	s7 =	sadd.s32 $0xBE00, s9;
	s8 =	sadd.s32 $0x1E00, s9  }
0x11: {  	s9 =	sadd.s32 $0x2B200, s11;
	s11 =	sshrl.u32 s13, $0x3;
	s13 =	simm.s32 $0xA000  }
.LBB2_8:
0x12: {  	_ =	swait.ge [sflag:s20], $0x5000  }
0x13: {  	[sflag:s20] =	ssyncset.done $0x0  }
0x14: {  	[sflag:s20] =	ssyncadd.s32 $0xFFFFB000  }
0x15: {  	_ =	swait.ge [sflag:s21], $0x5000  }
0x16: {  	[sflag:s21] =	ssyncset.done $0x0  }
0x17: {  	[sflag:s21] =	ssyncadd.s32 $0xFFFFB000  }
0x18: {  	_ =	swait.ge [sflag:s22], $0x5000  }
0x19: {  	s25 =	sadd.s32 $0x1, s25;
	[sflag:s22] =	ssyncset.done $0x0  }
0x1a: {  	p0 =	sne.s32 s25, s10;
	[sflag:s22] =	ssyncadd.s32 $0xFFFFB000  }
.Ltmp1:
0x1b: {  	[bflag:$0x0] =	sbarrier.arrive $0xFFFF;
	(pc) =	sbr.rel @!p0 .LBB2_9-.Ltmp1, $4  }
0x1c: {  	[hbm:s9], [sflag:s6] =	dma.local [spmem:s11], $0x1400  }
0x1d: {  	_ =	swait.ge [sflag:s12], $0x1400  }
0x1e: {  	[sflag:s12] =	ssyncset.done $0x0  }
0x1f: {  	[sflag:s12] =	ssyncadd.s32 $0xFFFFEC00  }
.LBB2_1:
0x20: {  	[spmem:s11], [sflag:s6] =	dma.local [hbm:s5], $0x1400  }
0x21: {  	_ =	swait.ge [sflag:s12], $0x1400  }
0x22: {  	[sflag:s12] =	ssyncset.done $0x0  }
0x23: {  	[sflag:s12] =	ssyncadd.s32 $0xFFFFEC00  }
0x24: {  	[tilespmem:s13], [sflag:$0x7] =	stream.linear.gather [hbm4b:s7+s3], $0x2800, $0x38;
	[tilespmem:$0x1E000] =	vst v63  }
0x25: {  	_ =	swait.ge [sflag:s12], $0x2800  }
0x26: {  	[sflag:s12] =	ssyncset.done $0x0  }
0x27: {  	s26 =	simm.s32 $0xC800;
	[sflag:s12] =	ssyncadd.s32 $0xFFFFD800  }
0x28: {  	[tilespmem:s26], [sflag:$0x7] =	stream.linear.gather [hbm4b:s8+s3], $0x2800, $0x38;
	[tilespmem:$0x1E000] =	vst v63  }
0x29: {  	_ =	swait.ge [sflag:s12], $0x2800  }
0x2a: {  	[sflag:s12] =	ssyncset.done $0x0  }
.Ltmp2:
0x2b: {  	[sflag:s12] =	ssyncadd.s32 $0xFFFFD800;
	(pc) =	sbr.rel .LBB2_2-.Ltmp2, $4  }
0x2c: {  	[bflag:$0x0] =	sbarrier.arrive $0xFFFF  }
0x2d: {  	[tilespmem:s15], [sflag:$0x1] =	stream.indirect.gather [hbm4b:s4+s14], $0x40, s13, s14, $0xb8;
	[tilespmem:$0x1E000] =	vst v63  }
0x2e: {  	s28 =	simm.s32 $0xA280;
	s29 =	simm.s32 $0x0  }
0x2f: {  	[tilespmem:s17], [sflag:$0x2] =	stream.indirect.gather [hbm4b:s4+s14], $0x40, s16, s14, $0xb8;
	[tilespmem:$0x1E000] =	vst v63  }
.LBB2_6:
0x30: {  	_ =	swait.ge [sflag:s18], $0x5000  }
0x31: {  	p0 =	sgt.u32 s29, $0x1D;
	[sflag:s18] =	ssyncset.done $0x0  }
0x32: {  	s30 =	simm.s32 @!p0 $0x5;
	[sflag:s18] =	ssyncadd.s32 $0xFFFFB000  }
0x33: {  	_ =	swait.ge @!p0 [sflag:s30], $0x5000  }
0x34: {  	[sflag:s30] =	ssyncset.done @!p0 $0x0  }
0x35: {  	s31 =	simm.s32 @!p0 $0x14000;
	[sflag:s30] =	ssyncadd.s32 @!p0 $0xFFFFB000;
	s30 =	simm.s32 @!p0 $0x140  }
0x36: {  	[tilespmem:s31], [sflag:$0x2] =	stream.indirect.gather @!p0 [hbm4b:s4+s30], $0x40, s28, s30, $0xb8;
	[tilespmem:$0x1E000] =	vst v63  }
0x37: {  	_ = 	snop  }
0x38: {  	[spmem:s2] =	stream.indirect.scatter.add.f32 [tilespmem:s19], [sflag:$0x6], $0x40, s26, s14, $0xb8;
	[tilespmem:$0x1E000] =	vst v63  }
.LBB2_7:
0x39: {  	s29 =	sadd.s32 $0x1, s29  }
0x3a: {  	p0 =	sne.s32 s29, $0x20  }
.Ltmp3:
0x3b: {  	_ = 	snop;
	(pc) =	sbr.rel @!p0 .LBB2_8-.Ltmp3, $2  }
0x3c: {  	_ =	sdelay $0x2  }
0x3d: {  	s26 =	sadd.s32 $0x140, s26;
	s28 =	sadd.s32 $0x140, s28  }
.LBB2_2:
0x3e: {  	s30 =	smul.u32 $0xAB, s29;
	_ =	sdelay $0x1  }
0x3f: {  	s30 =	sshrl.u32 s30, $0x9  }
0x40: {  	s30 =	sand.u32 $0x7F, s30  }
0x41: {  	s30 =	smul.u32 $0x3, s30;
	_ =	sdelay $0x1  }
0x42: {  	s30 =	ssub.s32 s29, s30  }
0x43: {  	s30 =	sand.u32 $0xFF, s30  }
0x44: {  	p0 =	seq.s32 s30, $0x2  }
.Ltmp4:
0x45: {  	_ = 	snop;
	(pc) =	sbr.rel @p0 .LBB2_6-.Ltmp4, $1  }
0x46: {  	_ =	sdelay $0x3  }
0x47: {  	p0 =	seq.s32 s30, $0x1  }
.Ltmp5:
0x48: {  	_ = 	snop;
	(pc) =	sbr.rel @!p0 .LBB2_4-.Ltmp5, $1  }
0x49: {  	_ =	sdelay $0x3  }
0x4a: {  	_ =	swait.ge [sflag:s23], $0x5000  }
0x4b: {  	p0 =	sgt.u32 s29, $0x1D;
	[sflag:s23] =	ssyncset.done $0x0  }
0x4c: {  	s30 =	simm.s32 @!p0 $0x4;
	[sflag:s23] =	ssyncadd.s32 $0xFFFFB000  }
0x4d: {  	_ =	swait.ge @!p0 [sflag:s30], $0x5000  }
.Ltmp6:
0x4e: {  	[sflag:s30] =	ssyncset.done @!p0 $0x0;
	(pc) =	sbr.rel .LBB2_7-.Ltmp6, $4  }
0x4f: {  	s31 =	simm.s32 @!p0 $0xF000;
	[sflag:s30] =	ssyncadd.s32 @!p0 $0xFFFFB000;
	s30 =	simm.s32 @!p0 $0x140  }
0x50: {  	[tilespmem:s31], [sflag:$0x1] =	stream.indirect.gather @!p0 [hbm4b:s4+s30], $0x40, s28, s30, $0xb8;
	[tilespmem:$0x1E000] =	vst v63  }
0x51: {  	_ = 	snop  }
0x52: {  	[spmem:s2] =	stream.indirect.scatter.add.f32 [tilespmem:s17], [sflag:$0x5], $0x40, s26, s14, $0xb8;
	[tilespmem:$0x1E000] =	vst v63  }
.LBB2_4:
0x53: {  	p0 =	sgt.u32 s29, $0x1D  }
0x54: {  	_ =	swait.ge [sflag:s24], $0x5000;
	p1 =	seq.s32 @!p0 s29, $0x0  }
0x55: {  	[sflag:s24] =	ssyncset.done $0x0;
	p1 =	por p1, p0  }
0x56: {  	[sflag:s24] =	ssyncadd.s32 $0xFFFFB000;
	s30 =	simm.s32 @!p1 $0x6  }
0x57: {  	_ =	swait.ge @!p1 [sflag:s30], $0x5000  }
.Ltmp7:
0x58: {  	[sflag:s30] =	ssyncset.done @!p1 $0x0;
	(pc) =	sbr.rel .LBB2_7-.Ltmp7, $4  }
0x59: {  	s31 =	simm.s32 @!p0 $0x19000;
	[sflag:s30] =	ssyncadd.s32 @!p1 $0xFFFFB000;
	s30 =	simm.s32 @!p0 $0x140  }
0x5a: {  	[tilespmem:s31], [sflag:$0x3] =	stream.indirect.gather @!p0 [hbm4b:s4+s30], $0x40, s28, s30, $0xb8;
	[tilespmem:$0x1E000] =	vst v63  }
0x5b: {  	_ = 	snop  }
0x5c: {  	[spmem:s2] =	stream.indirect.scatter.add.f32 [tilespmem:s15], [sflag:$0x4], $0x40, s26, s14, $0xb8;
	[tilespmem:$0x1E000] =	vst v63  }
.LBB2_9:
0x5d: {  	_ =	sfence.sel $0x180000  }
0x5e: {  	[bflag:$0x0] =	sbarrier.arrive $0xFFFF  }
0x5f: {  	p0 =	sne.s32 s0, $0x0;
	_ =	strace $0x9000004A  }
0x60: {  	s0 =	sadd.s32 @!p0 $0x100000, s1;
	[bflag:$0x2] =	sbarrier.arrive $0xFFFF  }
0x61: {  	[sflag:s0] =	ssyncadd.tile.s32 @!p0 $0x1;
	_ =	shalt  }
.Lfunc_end2:
_tile_overlayer_lowered:
.L_overlay_start_2:
0x62: {  	(tag) =	ssettag $0x2  }
0x63: {  	s0 =	rddreg [dreg:$0x0];
	s2 =	stileid.u32  }
0x64: {  	s1 =	rddreg [dreg:$0x1];
	p0 =	sne.s32 s2, $0x0  }
0x65: {  	s3 =	rddreg [dreg:$0x2];
	[bflag:$0x3] =	sbarrier.arrive $0xFFFF;
	s2 =	simm.s32 @!p0 $0x1C07  }
0x66: {  	[timem:s3], [sflag:s2] =	dma.local @!p0 [hbm:s0], s1  }
0x67: {  	s0 =	simm.s32 @!p0 $0x7  }
0x68: {  	_ =	swait.ge @!p0 [sflag:s0], s1  }
0x69: {  	s1 =	ssub.s32 @!p0 $0x0, s1;
	[sflag:s0] =	ssyncset.done @!p0 $0x0  }
0x6a: {  	[sflag:s0] =	ssyncadd.s32 @!p0 s1  }
0x6b: {  	[bflag:$0x3] =	sbarrier.arrive $0xFFFF  }
0x6c: {  	_ =	shalt  }

// kernel: kernel.14.cloned.1.call-start
scs
__scs_entry_jumppad:
0x0: {  	(pc) =	sbr.rel $0x88, $3  }
0x1: {  	(tag) =	ssettag $0x0;
	lr =	simm.s32 $0x1  }
0x2: {  	[smem:$0x3F98] =	sst lr;
	_ =	strace $0xD0000000  }
0x3: {  	_ = 	snop  }
0x4: {  	_ = 	snop  }
0x5: {  	_ = 	snop  }
0x6: {  	_ = 	snop  }
0x7: {  	_ = 	snop  }
__scs_overlays_trampoline_lowered:
0x8: {  	[smem:$0x3FA7] =	sst s0  }
0x9: {  	[smem:$0x3FA8] =	sst s1  }
0xa: {  	[smem:$0x3FA9] =	sst s2  }
0xb: {  	[smem:$0x3FAA] =	sst s3  }
0xc: {  	[smem:$0x3FAB] =	sst s4  }
0xd: {  	[smem:$0x3FAC] =	sst s5  }
0xe: {  	[smem:$0x3FAD] =	sst s6  }
0xf: {  	[smem:$0x3FAE] =	sst s7  }
0x10: {  	[smem:$0x3FAF] =	sst s8  }
0x11: {  	[smem:$0x3FB0] =	sst s9;
	s0 =	simm.s32 @!p0 $0x0  }
0x12: {  	s1 =	sld [smem:$0x3F96];
	s0 =	simm.s32 @p0 $0x1  }
0x13: {  	[smem:$0x3FB1] =	sst s0;
	s0 =	simm.s32 @!p1 $0x0  }
0x14: {  	s2 =	sld [smem:$0x3F95];
	s0 =	simm.s32 @p1 $0x1  }
0x15: {  	[smem:$0x3FB2] =	sst s0;
	s0 =	simm.s32 @!p2 $0x0  }
0x16: {  	s3 =	sld [smem:$0x3FDB];
	s0 =	simm.s32 @p2 $0x1  }
0x17: {  	s4 =	simm.s32 $0x1BF5;
	[smem:$0x3FB4] =	sst s0  }
0x18: {  	s0 =	sld [smem:$0x3F97];
	_ =	swait.ge [sflag:s4], $0x0  }
0x19: {  	s7 =	sld [smem:$0x3F98]  }
0x1a: {  	s8 =	sadd.s32 $0xFFFFE003, lr  }
0x1b: {  	s9 =	sadd.s32 $0xFFFFFEF7, lr;
	s5 =	simm.s32 $0xFFFFFFFF;
	p2 =	slt.u32 s8, $0xFFFFF086  }
0x1c: {  	p1 =	slt.u32 s9, $0xF7A;
	s5 =	simm.s32 @!p2 $0x0  }
0x1d: {  	s5 =	simm.s32 @p1 $0x1;
	p0 =	seq.s32 s7, s2  }
0x1e: {  	s7 =	smul.u32 @!p0 $0xF7A, s2;
	p2 =	seq.s32 @!p0 s5, $0x0  }
0x1f: {  	s9 =	smul.u32 $0xF7A, s1;
	s8 =	simm.s32 @!p0 $0x1BF5;
	p2 =	por !p2, p0  }
0x20: {  	[sflag:s8] =	ssyncset.s32 @!p0 $0xFFFFF086;
	s6 =	sadd.s32 @!p0 s3, s7;
	s7 =	simm.s32 @!p0 $0x108  }
0x21: {  	s3 =	sadd.s32 s3, s9;
	s6 =	sadd.s32 @!p0 $0x88, s6;
	s7 =	simm.s32 @p2 $0x1082  }
0x22: {  	[simem:s7], [sflag:s8] =	dma.local @!p0 [hbm:s6], $0xF7A  }
0x23: {  	s9 =	sor.u32 $0xD0000000, s2;
	s6 =	simm.s32 $0x108;
	_ =	swait.ge @!p0 [sflag:s8], $0x0  }
0x24: {  	s3 =	sadd.s32 $0x88, s3;
	s6 =	simm.s32 @!p1 $0x1082;
	[sflag:s4] =	ssyncset.s32 $0xFFFFF086  }
0x25: {  	[simem:s6], [sflag:s4] =	dma.local [hbm:s3], $0xF7A  }
0x26: {  	[smem:$0x3F98] =	sst s1;
	(tag) =	ssettag s2;
	_ =	strace s9  }
0x27: {  	s1 =	sld [smem:$0x3FA8]  }
0x28: {  	s2 =	sld [smem:$0x3FA9]  }
0x29: {  	s4 =	sld [smem:$0x3FAB]  }
0x2a: {  	p0 =	seq.s32 s5, $0x0;
	s5 =	sld [smem:$0x3FAC]  }
0x2b: {  	s6 =	sld [smem:$0x3FAD]  }
0x2c: {  	s7 =	sld [smem:$0x3FAE]  }
0x2d: {  	s3 =	simm.s32 $0x108;
	s8 =	sld [smem:$0x3FAF]  }
0x2e: {  	s3 =	simm.s32 @!p0 $0x1082;
	s9 =	sld [smem:$0x3FB0]  }
0x2f: {  	lr =	sadd.s32 s0, s3;
	s0 =	sld [smem:$0x3FA7]  }
0x30: {  	s3 =	sld [smem:$0x3FAA]  }
0x31: {  	[smem:$0x3FB3] =	sst s10  }
0x32: {  	s10 =	sld [smem:$0x3FB1];
	_ =	sdelay $0x3  }
0x33: {  	p0 =	seq.s32 s10, $0x1;
	s10 =	sld [smem:$0x3FB3];
	_ =	sdelay $0x3  }
0x34: {  	[smem:$0x3FB3] =	sst s10  }
0x35: {  	s10 =	sld [smem:$0x3FB2];
	_ =	sdelay $0x3  }
0x36: {  	p1 =	seq.s32 s10, $0x1;
	s10 =	sld [smem:$0x3FB3];
	_ =	sdelay $0x3  }
0x37: {  	[smem:$0x3FB3] =	sst s10  }
0x38: {  	s10 =	sld [smem:$0x3FB4]  }
0x39: {  	_ = 	snop;
	(pc) =	sbr.ind lr, $3  }
0x3a: {  	_ = 	snop  }
0x3b: {  	_ = 	snop  }
0x3c: {  	p2 =	seq.s32 s10, $0x1;
	s10 =	sld [smem:$0x3FB3]  }
0x3d: {  	_ =	shalt  }
0x3e: {  	_ =	shalt  }
0x3f: {  	_ =	shalt  }
0x40: {  	_ =	shalt  }
0x41: {  	_ =	shalt  }
0x42: {  	_ =	shalt  }
0x43: {  	_ =	shalt  }
0x44: {  	_ =	shalt  }
0x45: {  	_ =	shalt  }
0x46: {  	_ =	shalt  }
0x47: {  	_ =	shalt  }
0x48: {  	_ =	shalt  }
0x49: {  	_ =	shalt  }
0x4a: {  	_ =	shalt  }
0x4b: {  	_ =	shalt  }
0x4c: {  	_ =	shalt  }
0x4d: {  	_ =	shalt  }
0x4e: {  	_ =	shalt  }
0x4f: {  	_ =	shalt  }
0x50: {  	_ =	shalt  }
0x51: {  	_ =	shalt  }
0x52: {  	_ =	shalt  }
0x53: {  	_ =	shalt  }
0x54: {  	_ =	shalt  }
0x55: {  	_ =	shalt  }
0x56: {  	_ =	shalt  }
0x57: {  	_ =	shalt  }
0x58: {  	_ =	shalt  }
0x59: {  	_ =	shalt  }
0x5a: {  	_ =	shalt  }
0x5b: {  	_ =	shalt  }
0x5c: {  	_ =	shalt  }
0x5d: {  	_ =	shalt  }
0x5e: {  	_ =	shalt  }
0x5f: {  	_ =	shalt  }
0x60: {  	_ =	shalt  }
0x61: {  	_ =	shalt  }
0x62: {  	_ =	shalt  }
0x63: {  	_ =	shalt  }
0x64: {  	_ =	shalt  }
0x65: {  	_ =	shalt  }
0x66: {  	_ =	shalt  }
0x67: {  	_ =	shalt  }
0x68: {  	_ =	shalt  }
0x69: {  	_ =	shalt  }
0x6a: {  	_ =	shalt  }
0x6b: {  	_ =	shalt  }
0x6c: {  	_ =	shalt  }
0x6d: {  	_ =	shalt  }
0x6e: {  	_ =	shalt  }
0x6f: {  	_ =	shalt  }
0x70: {  	_ =	shalt  }
0x71: {  	_ =	shalt  }
0x72: {  	_ =	shalt  }
0x73: {  	_ =	shalt  }
0x74: {  	_ =	shalt  }
0x75: {  	_ =	shalt  }
0x76: {  	_ =	shalt  }
0x77: {  	_ =	shalt  }
0x78: {  	_ =	shalt  }
0x79: {  	_ =	shalt  }
0x7a: {  	_ =	shalt  }
0x7b: {  	_ =	shalt  }
0x7c: {  	_ =	shalt  }
0x7d: {  	_ =	shalt  }
0x7e: {  	_ =	shalt  }
0x7f: {  	_ =	shalt  }
0x80: {  	_ =	shalt  }
0x81: {  	_ =	shalt  }
0x82: {  	_ =	shalt  }
0x83: {  	_ =	shalt  }
0x84: {  	_ =	shalt  }
0x85: {  	_ =	shalt  }
0x86: {  	_ =	shalt  }
0x87: {  	_ =	shalt  }
.Lfunc_end0:
.L_simem_size_0:
called_computation.2_lowered:
.L_overlay_start_0:
0x88: {  	s2 =	sld [smem:$0x3FD9]  }
0x89: {  	s3 =	sld [smem:$0x3FFE];
	_ =	sdelay $0x1  }
0x8a: {  	s1 =	srdreg.scid  }
0x8b: {  	s0 =	sand.u32 $0x1, s1  }
0x8c: {  	s16 =	sshll.u32 s0, $0xA;
	s2 =	sadd.s32 s3, s2  }
0x8d: {  	s2 =	sadd.s32 s2, s16  }
0x8e: {  	[smem:$0x3FBF] =	sst s2  }
0x8f: {  	_ = 	snop  }
0x90: {  	(tm) =	ssettm $0x1  }
0x91: {  	s17 =	sld [smem:$0x3FFB];
	_ =	sdelay $0x3  }
0x92: {  	_ =	strace s17  }
0x93: {  	s2 =	sld [smem:$0x3FFC];
	_ =	sdelay $0x3  }
0x94: {  	_ =	strace s2  }
0x95: {  	s2 =	sld [smem:$0x3FFD];
	_ =	sdelay $0x3  }
0x96: {  	_ =	strace s2  }
0x97: {  	_ =	strace $0x8FFFFFFF  }
0x98: {  	s18 =	sld [smem:$0x3FDB];
	_ =	sdelay $0x1  }
0x99: {  	s19 =	simm.s32 $_scs_section_size  }
0x9a: {  	s4 =	simm.s32 $_size__tile_overlayer_lowered;
	s5 =	simm.s32 $_tile_overlayer_lowered  }
0x9b: {  	s22 =	simm.s32 $0x1BFF;
	s21 =	sshll.u32 s5, $0x1;
	s2 =	sadd.s32 s19, s18  }
0x9c: {  	s6 =	simm.s32 $0x0;
	s20 =	sshll.u32 s4, $0x1;
	s4 =	sadd.s32 s21, s2  }
0x9d: {  	[timem:s6], [sflag:s22] =	dma.local [hbm:s4], s20  }
0x9e: {  	_ =	swait.ge [sflag:s22], s20  }
0x9f: {  	s3 =	ssub.s32 $0x0, s20;
	[sflag:s22] =	ssyncset.done $0x0  }
0xa0: {  	[sflag:s22] =	ssyncadd.s32 s3;
	_ =	sdelay $0x1  }
0xa1: {  	s23 =	simm.s32 $0x1B8B  }
0xa2: {  	_ =	swait.ge [sflag:s23], $0x1  }
0xa3: {  	[sflag:s23] =	ssyncset.done $0x0  }
0xa4: {  	s25 =	simm.s32 $0x1B8E;
	s24 =	sld [smem:$0x3FFE];
	[sflag:s23] =	ssyncadd.s32 $0xFFFFFFFF  }
0xa5: {  	s26 =	simm.s32 $execute0_lowered;
	[smem:$0x3FD2] =	sst s25  }
0xa6: {  	s4 =	sshll.u32 s26, $0x1;
	_ =	strace $0x8000004C;
	[dreg:$0x1] =	wrdreg $0xFFFFFFFF  }
0xa7: {  	s28 =	simm.s32 $_size_execute0_lowered;
	s2 =	sadd.s32 s2, s4;
	[dreg:$0x0] =	wrdreg $0x0  }
0xa8: {  	s4 =	sshll.u32 s28, $0x1;
	[dreg:$0x2] =	wrdreg s2  }
0xa9: {  	[dreg:$0x3] =	wrdreg s4  }
0xaa: {  	[dreg:$0x4] =	wrdreg $0xC0  }
0xab: {  	_ =	task [dreg:s6], $0x5FFFF  }
0xac: {  	[dreg:$0x1] =	wrdreg $0xFFFFFFFF  }
0xad: {  	[dreg:$0x0] =	wrdreg $0x60  }
0xae: {  	[dreg:$0x2] =	wrdreg s24  }
0xaf: {  	[dreg:$0x3] =	wrdreg $0x0  }
0xb0: {  	[dreg:$0x4] =	wrdreg $0x9  }
0xb1: {  	_ =	task.clear_ibuf [dreg:s6], $0x5FFFF;
	_ =	strace $0x9000004C  }
0xb2: {  	s29 =	simm.s32 $0x9;
	_ =	strace $0x8000004E  }
0xb3: {  	_ =	swait.ge [sflag:s29], $0x1  }
0xb4: {  	[sflag:s29] =	ssyncadd.s32 $0xFFFFFFFF  }
0xb5: {  	_ =	strace $0x9000004E  }
0xb6: {  	_ =	sfence  }
0xb7: {  	s30 =	sld [smem:$0x0];
	_ =	sdelay $0x2  }
0xb8: {  	s31 =	sshll.u32 s1, $0xD;
	s1 =	sshrl.u32 s1, $0x2  }
0xb9: {  	s3 =	sand.u32 $0x4000, s31;
	s1 =	sadd.s32 s1, s30  }
0xba: {  	s0 =	sor.u32 s3, s0;
	s1 =	sshll.u32 s1, $0x11  }
0xbb: {  	s0 =	sor.u32 s1, s0  }
0xbc: {  	s0 =	sadd.s32 $0x8F2B, s0  }
0xbd: {  	[sflag:s0] =	ssyncadd.remote.s32 $0x1  }
0xbe: {  	_ =	sfence.sel $0xFFFF  }
0xbf: {  	[dreg:$0x0] =	wrdreg $0xFFFFFFFF;
	(pc) =	sbr.abs _section_cstart, $3  }
0xc0: {  	[dreg:$0x1] =	wrdreg $0xFFFFFFFF  }
0xc1: {  	_ =	task.clear_ibuf [dreg:s6], $0x2FFFF;
	_ =	strace $0x9FFFFFFF  }
0xc2: {  	(tm) =	ssettm $0x7FFFFFFF  }
0xc3: {  	_ =	shalt  }
tec
execute0_lowered:
.L_overlay_start_1:
0x0: {  	(tag) =	ssettag $0x1  }
0x1: {  	s1 =	srdreg.scid  }
0x2: {  	s0 =	stileid.u32;
	s6 =	rddreg [dreg:$0x0]  }
0x3: {  	s3 =	simm.s32 $0x0;
	s14 =	simm.s32 $0x140;
	s15 =	simm.s32 $0xF000  }
0x4: {  	s16 =	simm.s32 $0xA140;
	s17 =	simm.s32 $0x14000;
	s18 =	simm.s32 $0x3  }
0x5: {  	s19 =	simm.s32 $0x19000;
	s20 =	simm.s32 $0x6;
	s21 =	simm.s32 $0x4  }
0x6: {  	s22 =	simm.s32 $0x5;
	s23 =	simm.s32 $0x2;
	s24 =	simm.s32 $0x1  }
0x7: {  	s25 =	simm.s32 $0x0;
	s5 =	sand.u32 $0x1, s1;
	s7 =	smul.u32 $0x1400, s0  }
0x8: {  	s2 =	sshll.u32 s0, $0x5;
	[smem:$0x7FF] =	sst s3;
	s10 =	smul.u32 $0x28000, s0  }
0x9: {  	s31 =	sshll.u32 s0, $0x6;
	s1 =	sshll.u32 s5, $0x9;
	s8 =	smul.u32 $0x14000, s5  }
0xa: {  	s28 =	ssub.s32 $0x2, s5;
	s5 =	sadd.s32 $0x29E00, s6;
	s1 =	sor.u32 s2, s1  }
0xb: {  	s2 =	rddreg [dreg:$0x1];
	s29 =	sshrl.u32 s28, $0x1;
	s30 =	sshrl.u32 s10, $0x2  }
0xc: {  	s4 =	smul.u32 $0x28, s1;
	s1 =	rddreg [dreg:$0x2];
	_ =	strace $0x8000004D  }
.Ltmp0:
0xd: {  	s7 =	sadd.s32 s7, s8;
	s12 =	ssub.s32 s28, s29;
	(pc) =	sbr.rel .LBB2_1-.Ltmp0, $4  }
0xe: {  	s13 =	sadd.s32 s30, s2;
	s11 =	sadd.s32 s7, s6;
	s10 =	smax.u32 s12, $0x1  }
0xf: {  	s12 =	simm.s32 $0x7;
	s9 =	sadd.s32 s4, s6;
	s4 =	sadd.s32 $0x15E00, s6  }
0x10: {  	s6 =	sor.u32 $0x1C07, s31;
	s7 =	sadd.s32 $0xBE00, s9;
	s8 =	sadd.s32 $0x1E00, s9  }
0x11: {  	s9 =	sadd.s32 $0x2B200, s11;
	s11 =	sshrl.u32 s13, $0x3;
	s13 =	simm.s32 $0xA000  }
.LBB2_8:
0x12: {  	_ =	swait.ge [sflag:s20], $0x5000  }
0x13: {  	[sflag:s20] =	ssyncset.done $0x0  }
0x14: {  	[sflag:s20] =	ssyncadd.s32 $0xFFFFB000  }
0x15: {  	_ =	swait.ge [sflag:s21], $0x5000  }
0x16: {  	[sflag:s21] =	ssyncset.done $0x0  }
0x17: {  	[sflag:s21] =	ssyncadd.s32 $0xFFFFB000  }
0x18: {  	_ =	swait.ge [sflag:s22], $0x5000  }
0x19: {  	s25 =	sadd.s32 $0x1, s25;
	[sflag:s22] =	ssyncset.done $0x0  }
0x1a: {  	p0 =	sne.s32 s25, s10;
	[sflag:s22] =	ssyncadd.s32 $0xFFFFB000  }
.Ltmp1:
0x1b: {  	[bflag:$0x0] =	sbarrier.arrive $0xFFFF;
	(pc) =	sbr.rel @!p0 .LBB2_9-.Ltmp1, $4  }
0x1c: {  	[hbm:s9], [sflag:s6] =	dma.local [spmem:s11], $0x1400  }
0x1d: {  	_ =	swait.ge [sflag:s12], $0x1400  }
0x1e: {  	[sflag:s12] =	ssyncset.done $0x0  }
0x1f: {  	[sflag:s12] =	ssyncadd.s32 $0xFFFFEC00  }
.LBB2_1:
0x20: {  	[spmem:s11], [sflag:s6] =	dma.local [hbm:s5], $0x1400  }
0x21: {  	_ =	swait.ge [sflag:s12], $0x1400  }
0x22: {  	[sflag:s12] =	ssyncset.done $0x0  }
0x23: {  	[sflag:s12] =	ssyncadd.s32 $0xFFFFEC00  }
0x24: {  	[tilespmem:s13], [sflag:$0x7] =	stream.linear.gather [hbm4b:s7+s3], $0x2800, $0x38;
	[tilespmem:$0x1E000] =	vst v63  }
0x25: {  	_ =	swait.ge [sflag:s12], $0x2800  }
0x26: {  	[sflag:s12] =	ssyncset.done $0x0  }
0x27: {  	s26 =	simm.s32 $0xC800;
	[sflag:s12] =	ssyncadd.s32 $0xFFFFD800  }
0x28: {  	[tilespmem:s26], [sflag:$0x7] =	stream.linear.gather [hbm4b:s8+s3], $0x2800, $0x38;
	[tilespmem:$0x1E000] =	vst v63  }
0x29: {  	_ =	swait.ge [sflag:s12], $0x2800  }
0x2a: {  	[sflag:s12] =	ssyncset.done $0x0  }
.Ltmp2:
0x2b: {  	[sflag:s12] =	ssyncadd.s32 $0xFFFFD800;
	(pc) =	sbr.rel .LBB2_2-.Ltmp2, $4  }
0x2c: {  	[bflag:$0x0] =	sbarrier.arrive $0xFFFF  }
0x2d: {  	[tilespmem:s15], [sflag:$0x1] =	stream.indirect.gather [hbm4b:s4+s14], $0x40, s13, s14, $0xb8;
	[tilespmem:$0x1E000] =	vst v63  }
0x2e: {  	s28 =	simm.s32 $0xA280;
	s29 =	simm.s32 $0x0  }
0x2f: {  	[tilespmem:s17], [sflag:$0x2] =	stream.indirect.gather [hbm4b:s4+s14], $0x40, s16, s14, $0xb8;
	[tilespmem:$0x1E000] =	vst v63  }
.LBB2_6:
0x30: {  	_ =	swait.ge [sflag:s18], $0x5000  }
0x31: {  	p0 =	sgt.u32 s29, $0x1D;
	[sflag:s18] =	ssyncset.done $0x0  }
0x32: {  	s30 =	simm.s32 @!p0 $0x5;
	[sflag:s18] =	ssyncadd.s32 $0xFFFFB000  }
0x33: {  	_ =	swait.ge @!p0 [sflag:s30], $0x5000  }
0x34: {  	[sflag:s30] =	ssyncset.done @!p0 $0x0  }
0x35: {  	s31 =	simm.s32 @!p0 $0x14000;
	[sflag:s30] =	ssyncadd.s32 @!p0 $0xFFFFB000;
	s30 =	simm.s32 @!p0 $0x140  }
0x36: {  	[tilespmem:s31], [sflag:$0x2] =	stream.indirect.gather @!p0 [hbm4b:s4+s30], $0x40, s28, s30, $0xb8;
	[tilespmem:$0x1E000] =	vst v63  }
0x37: {  	_ = 	snop  }
0x38: {  	[spmem:s2] =	stream.indirect.scatter.add.f32 [tilespmem:s19], [sflag:$0x6], $0x40, s26, s14, $0xb8;
	[tilespmem:$0x1E000] =	vst v63  }
.LBB2_7:
0x39: {  	s29 =	sadd.s32 $0x1, s29  }
0x3a: {  	p0 =	sne.s32 s29, $0x20  }
.Ltmp3:
0x3b: {  	_ = 	snop;
	(pc) =	sbr.rel @!p0 .LBB2_8-.Ltmp3, $2  }
0x3c: {  	_ =	sdelay $0x2  }
0x3d: {  	s26 =	sadd.s32 $0x140, s26;
	s28 =	sadd.s32 $0x140, s28  }
.LBB2_2:
0x3e: {  	s30 =	smul.u32 $0xAB, s29;
	_ =	sdelay $0x1  }
0x3f: {  	s30 =	sshrl.u32 s30, $0x9  }
0x40: {  	s30 =	sand.u32 $0x7F, s30  }
0x41: {  	s30 =	smul.u32 $0x3, s30;
	_ =	sdelay $0x1  }
0x42: {  	s30 =	ssub.s32 s29, s30  }
0x43: {  	s30 =	sand.u32 $0xFF, s30  }
0x44: {  	p0 =	seq.s32 s30, $0x2  }
.Ltmp4:
0x45: {  	_ = 	snop;
	(pc) =	sbr.rel @p0 .LBB2_6-.Ltmp4, $1  }
0x46: {  	_ =	sdelay $0x3  }
0x47: {  	p0 =	seq.s32 s30, $0x1  }
.Ltmp5:
0x48: {  	_ = 	snop;
	(pc) =	sbr.rel @!p0 .LBB2_4-.Ltmp5, $1  }
0x49: {  	_ =	sdelay $0x3  }
0x4a: {  	_ =	swait.ge [sflag:s23], $0x5000  }
0x4b: {  	p0 =	sgt.u32 s29, $0x1D;
	[sflag:s23] =	ssyncset.done $0x0  }
0x4c: {  	s30 =	simm.s32 @!p0 $0x4;
	[sflag:s23] =	ssyncadd.s32 $0xFFFFB000  }
0x4d: {  	_ =	swait.ge @!p0 [sflag:s30], $0x5000  }
.Ltmp6:
0x4e: {  	[sflag:s30] =	ssyncset.done @!p0 $0x0;
	(pc) =	sbr.rel .LBB2_7-.Ltmp6, $4  }
0x4f: {  	s31 =	simm.s32 @!p0 $0xF000;
	[sflag:s30] =	ssyncadd.s32 @!p0 $0xFFFFB000;
	s30 =	simm.s32 @!p0 $0x140  }
0x50: {  	[tilespmem:s31], [sflag:$0x1] =	stream.indirect.gather @!p0 [hbm4b:s4+s30], $0x40, s28, s30, $0xb8;
	[tilespmem:$0x1E000] =	vst v63  }
0x51: {  	_ = 	snop  }
0x52: {  	[spmem:s2] =	stream.indirect.scatter.add.f32 [tilespmem:s17], [sflag:$0x5], $0x40, s26, s14, $0xb8;
	[tilespmem:$0x1E000] =	vst v63  }
.LBB2_4:
0x53: {  	p0 =	sgt.u32 s29, $0x1D  }
0x54: {  	_ =	swait.ge [sflag:s24], $0x5000;
	p1 =	seq.s32 @!p0 s29, $0x0  }
0x55: {  	[sflag:s24] =	ssyncset.done $0x0;
	p1 =	por p1, p0  }
0x56: {  	[sflag:s24] =	ssyncadd.s32 $0xFFFFB000;
	s30 =	simm.s32 @!p1 $0x6  }
0x57: {  	_ =	swait.ge @!p1 [sflag:s30], $0x5000  }
.Ltmp7:
0x58: {  	[sflag:s30] =	ssyncset.done @!p1 $0x0;
	(pc) =	sbr.rel .LBB2_7-.Ltmp7, $4  }
0x59: {  	s31 =	simm.s32 @!p0 $0x19000;
	[sflag:s30] =	ssyncadd.s32 @!p1 $0xFFFFB000;
	s30 =	simm.s32 @!p0 $0x140  }
0x5a: {  	[tilespmem:s31], [sflag:$0x3] =	stream.indirect.gather @!p0 [hbm4b:s4+s30], $0x40, s28, s30, $0xb8;
	[tilespmem:$0x1E000] =	vst v63  }
0x5b: {  	_ = 	snop  }
0x5c: {  	[spmem:s2] =	stream.indirect.scatter.add.f32 [tilespmem:s15], [sflag:$0x4], $0x40, s26, s14, $0xb8;
	[tilespmem:$0x1E000] =	vst v63  }
.LBB2_9:
0x5d: {  	_ =	sfence.sel $0x180000  }
0x5e: {  	[bflag:$0x0] =	sbarrier.arrive $0xFFFF  }
0x5f: {  	p0 =	sne.s32 s0, $0x0;
	_ =	strace $0x9000004D  }
0x60: {  	s0 =	sadd.s32 @!p0 $0x100000, s1;
	[bflag:$0x2] =	sbarrier.arrive $0xFFFF  }
0x61: {  	[sflag:s0] =	ssyncadd.tile.s32 @!p0 $0x1;
	_ =	shalt  }
.Lfunc_end2:
_tile_overlayer_lowered:
.L_overlay_start_2:
0x62: {  	(tag) =	ssettag $0x2  }
0x63: {  	s0 =	rddreg [dreg:$0x0];
	s2 =	stileid.u32  }
0x64: {  	s1 =	rddreg [dreg:$0x1];
	p0 =	sne.s32 s2, $0x0  }
0x65: {  	s3 =	rddreg [dreg:$0x2];
	[bflag:$0x3] =	sbarrier.arrive $0xFFFF;
	s2 =	simm.s32 @!p0 $0x1C07  }
0x66: {  	[timem:s3], [sflag:s2] =	dma.local @!p0 [hbm:s0], s1  }
0x67: {  	s0 =	simm.s32 @!p0 $0x7  }
0x68: {  	_ =	swait.ge @!p0 [sflag:s0], s1  }
0x69: {  	s1 =	ssub.s32 @!p0 $0x0, s1;
	[sflag:s0] =	ssyncset.done @!p0 $0x0  }
0x6a: {  	[sflag:s0] =	ssyncadd.s32 @!p0 s1  }
0x6b: {  	[bflag:$0x3] =	sbarrier.arrive $0xFFFF  }
0x6c: {  	_ =	shalt  }

// kernel: kernel.8.cloned.1.call-start
scs
__scs_entry_jumppad:
0x0: {  	(pc) =	sbr.rel $0x88, $3  }
0x1: {  	(tag) =	ssettag $0x0;
	lr =	simm.s32 $0x1  }
0x2: {  	[smem:$0x3F98] =	sst lr;
	_ =	strace $0xD0000000  }
0x3: {  	_ = 	snop  }
0x4: {  	_ = 	snop  }
0x5: {  	_ = 	snop  }
0x6: {  	_ = 	snop  }
0x7: {  	_ = 	snop  }
__scs_overlays_trampoline_lowered:
0x8: {  	[smem:$0x3FA7] =	sst s0  }
0x9: {  	[smem:$0x3FA8] =	sst s1  }
0xa: {  	[smem:$0x3FA9] =	sst s2  }
0xb: {  	[smem:$0x3FAA] =	sst s3  }
0xc: {  	[smem:$0x3FAB] =	sst s4  }
0xd: {  	[smem:$0x3FAC] =	sst s5  }
0xe: {  	[smem:$0x3FAD] =	sst s6  }
0xf: {  	[smem:$0x3FAE] =	sst s7  }
0x10: {  	[smem:$0x3FAF] =	sst s8  }
0x11: {  	[smem:$0x3FB0] =	sst s9;
	s0 =	simm.s32 @!p0 $0x0  }
0x12: {  	s1 =	sld [smem:$0x3F96];
	s0 =	simm.s32 @p0 $0x1  }
0x13: {  	[smem:$0x3FB1] =	sst s0;
	s0 =	simm.s32 @!p1 $0x0  }
0x14: {  	s2 =	sld [smem:$0x3F95];
	s0 =	simm.s32 @p1 $0x1  }
0x15: {  	[smem:$0x3FB2] =	sst s0;
	s0 =	simm.s32 @!p2 $0x0  }
0x16: {  	s3 =	sld [smem:$0x3FDB];
	s0 =	simm.s32 @p2 $0x1  }
0x17: {  	s4 =	simm.s32 $0x1BF5;
	[smem:$0x3FB4] =	sst s0  }
0x18: {  	s0 =	sld [smem:$0x3F97];
	_ =	swait.ge [sflag:s4], $0x0  }
0x19: {  	s7 =	sld [smem:$0x3F98]  }
0x1a: {  	s8 =	sadd.s32 $0xFFFFE003, lr  }
0x1b: {  	s9 =	sadd.s32 $0xFFFFFEF7, lr;
	s5 =	simm.s32 $0xFFFFFFFF;
	p2 =	slt.u32 s8, $0xFFFFF086  }
0x1c: {  	p1 =	slt.u32 s9, $0xF7A;
	s5 =	simm.s32 @!p2 $0x0  }
0x1d: {  	s5 =	simm.s32 @p1 $0x1;
	p0 =	seq.s32 s7, s2  }
0x1e: {  	s7 =	smul.u32 @!p0 $0xF7A, s2;
	p2 =	seq.s32 @!p0 s5, $0x0  }
0x1f: {  	s9 =	smul.u32 $0xF7A, s1;
	s8 =	simm.s32 @!p0 $0x1BF5;
	p2 =	por !p2, p0  }
0x20: {  	[sflag:s8] =	ssyncset.s32 @!p0 $0xFFFFF086;
	s6 =	sadd.s32 @!p0 s3, s7;
	s7 =	simm.s32 @!p0 $0x108  }
0x21: {  	s3 =	sadd.s32 s3, s9;
	s6 =	sadd.s32 @!p0 $0x88, s6;
	s7 =	simm.s32 @p2 $0x1082  }
0x22: {  	[simem:s7], [sflag:s8] =	dma.local @!p0 [hbm:s6], $0xF7A  }
0x23: {  	s9 =	sor.u32 $0xD0000000, s2;
	s6 =	simm.s32 $0x108;
	_ =	swait.ge @!p0 [sflag:s8], $0x0  }
0x24: {  	s3 =	sadd.s32 $0x88, s3;
	s6 =	simm.s32 @!p1 $0x1082;
	[sflag:s4] =	ssyncset.s32 $0xFFFFF086  }
0x25: {  	[simem:s6], [sflag:s4] =	dma.local [hbm:s3], $0xF7A  }
0x26: {  	[smem:$0x3F98] =	sst s1;
	(tag) =	ssettag s2;
	_ =	strace s9  }
0x27: {  	s1 =	sld [smem:$0x3FA8]  }
0x28: {  	s2 =	sld [smem:$0x3FA9]  }
0x29: {  	s4 =	sld [smem:$0x3FAB]  }
0x2a: {  	p0 =	seq.s32 s5, $0x0;
	s5 =	sld [smem:$0x3FAC]  }
0x2b: {  	s6 =	sld [smem:$0x3FAD]  }
0x2c: {  	s7 =	sld [smem:$0x3FAE]  }
0x2d: {  	s3 =	simm.s32 $0x108;
	s8 =	sld [smem:$0x3FAF]  }
0x2e: {  	s3 =	simm.s32 @!p0 $0x1082;
	s9 =	sld [smem:$0x3FB0]  }
0x2f: {  	lr =	sadd.s32 s0, s3;
	s0 =	sld [smem:$0x3FA7]  }
0x30: {  	s3 =	sld [smem:$0x3FAA]  }
0x31: {  	[smem:$0x3FB3] =	sst s10  }
0x32: {  	s10 =	sld [smem:$0x3FB1];
	_ =	sdelay $0x3  }
0x33: {  	p0 =	seq.s32 s10, $0x1;
	s10 =	sld [smem:$0x3FB3];
	_ =	sdelay $0x3  }
0x34: {  	[smem:$0x3FB3] =	sst s10  }
0x35: {  	s10 =	sld [smem:$0x3FB2];
	_ =	sdelay $0x3  }
0x36: {  	p1 =	seq.s32 s10, $0x1;
	s10 =	sld [smem:$0x3FB3];
	_ =	sdelay $0x3  }
0x37: {  	[smem:$0x3FB3] =	sst s10  }
0x38: {  	s10 =	sld [smem:$0x3FB4]  }
0x39: {  	_ = 	snop;
	(pc) =	sbr.ind lr, $3  }
0x3a: {  	_ = 	snop  }
0x3b: {  	_ = 	snop  }
0x3c: {  	p2 =	seq.s32 s10, $0x1;
	s10 =	sld [smem:$0x3FB3]  }
0x3d: {  	_ =	shalt  }
0x3e: {  	_ =	shalt  }
0x3f: {  	_ =	shalt  }
0x40: {  	_ =	shalt  }
0x41: {  	_ =	shalt  }
0x42: {  	_ =	shalt  }
0x43: {  	_ =	shalt  }
0x44: {  	_ =	shalt  }
0x45: {  	_ =	shalt  }
0x46: {  	_ =	shalt  }
0x47: {  	_ =	shalt  }
0x48: {  	_ =	shalt  }
0x49: {  	_ =	shalt  }
0x4a: {  	_ =	shalt  }
0x4b: {  	_ =	shalt  }
0x4c: {  	_ =	shalt  }
0x4d: {  	_ =	shalt  }
0x4e: {  	_ =	shalt  }
0x4f: {  	_ =	shalt  }
0x50: {  	_ =	shalt  }
0x51: {  	_ =	shalt  }
0x52: {  	_ =	shalt  }
0x53: {  	_ =	shalt  }
0x54: {  	_ =	shalt  }
0x55: {  	_ =	shalt  }
0x56: {  	_ =	shalt  }
0x57: {  	_ =	shalt  }
0x58: {  	_ =	shalt  }
0x59: {  	_ =	shalt  }
0x5a: {  	_ =	shalt  }
0x5b: {  	_ =	shalt  }
0x5c: {  	_ =	shalt  }
0x5d: {  	_ =	shalt  }
0x5e: {  	_ =	shalt  }
0x5f: {  	_ =	shalt  }
0x60: {  	_ =	shalt  }
0x61: {  	_ =	shalt  }
0x62: {  	_ =	shalt  }
0x63: {  	_ =	shalt  }
0x64: {  	_ =	shalt  }
0x65: {  	_ =	shalt  }
0x66: {  	_ =	shalt  }
0x67: {  	_ =	shalt  }
0x68: {  	_ =	shalt  }
0x69: {  	_ =	shalt  }
0x6a: {  	_ =	shalt  }
0x6b: {  	_ =	shalt  }
0x6c: {  	_ =	shalt  }
0x6d: {  	_ =	shalt  }
0x6e: {  	_ =	shalt  }
0x6f: {  	_ =	shalt  }
0x70: {  	_ =	shalt  }
0x71: {  	_ =	shalt  }
0x72: {  	_ =	shalt  }
0x73: {  	_ =	shalt  }
0x74: {  	_ =	shalt  }
0x75: {  	_ =	shalt  }
0x76: {  	_ =	shalt  }
0x77: {  	_ =	shalt  }
0x78: {  	_ =	shalt  }
0x79: {  	_ =	shalt  }
0x7a: {  	_ =	shalt  }
0x7b: {  	_ =	shalt  }
0x7c: {  	_ =	shalt  }
0x7d: {  	_ =	shalt  }
0x7e: {  	_ =	shalt  }
0x7f: {  	_ =	shalt  }
0x80: {  	_ =	shalt  }
0x81: {  	_ =	shalt  }
0x82: {  	_ =	shalt  }
0x83: {  	_ =	shalt  }
0x84: {  	_ =	shalt  }
0x85: {  	_ =	shalt  }
0x86: {  	_ =	shalt  }
0x87: {  	_ =	shalt  }
.Lfunc_end0:
.L_simem_size_0:
called_computation_lowered:
.L_overlay_start_0:
0x88: {  	s2 =	sld [smem:$0x3FD9]  }
0x89: {  	s3 =	sld [smem:$0x3FFE];
	_ =	sdelay $0x1  }
0x8a: {  	s1 =	srdreg.scid  }
0x8b: {  	s0 =	sand.u32 $0x1, s1  }
0x8c: {  	s16 =	sshll.u32 s0, $0xA;
	s2 =	sadd.s32 s3, s2  }
0x8d: {  	s2 =	sadd.s32 s2, s16  }
0x8e: {  	[smem:$0x3FBF] =	sst s2  }
0x8f: {  	_ = 	snop  }
0x90: {  	(tm) =	ssettm $0x1  }
0x91: {  	s17 =	sld [smem:$0x3FFB];
	_ =	sdelay $0x3  }
0x92: {  	_ =	strace s17  }
0x93: {  	s2 =	sld [smem:$0x3FFC];
	_ =	sdelay $0x3  }
0x94: {  	_ =	strace s2  }
0x95: {  	s2 =	sld [smem:$0x3FFD];
	_ =	sdelay $0x3  }
0x96: {  	_ =	strace s2  }
0x97: {  	_ =	strace $0x8FFFFFFF  }
0x98: {  	s18 =	sld [smem:$0x3FDB];
	_ =	sdelay $0x1  }
0x99: {  	s19 =	simm.s32 $_scs_section_size  }
0x9a: {  	s4 =	simm.s32 $_size__tile_overlayer_lowered;
	s5 =	simm.s32 $_tile_overlayer_lowered  }
0x9b: {  	s22 =	simm.s32 $0x1BFF;
	s21 =	sshll.u32 s5, $0x1;
	s2 =	sadd.s32 s19, s18  }
0x9c: {  	s6 =	simm.s32 $0x0;
	s20 =	sshll.u32 s4, $0x1;
	s4 =	sadd.s32 s21, s2  }
0x9d: {  	[timem:s6], [sflag:s22] =	dma.local [hbm:s4], s20  }
0x9e: {  	_ =	swait.ge [sflag:s22], s20  }
0x9f: {  	s3 =	ssub.s32 $0x0, s20;
	[sflag:s22] =	ssyncset.done $0x0  }
0xa0: {  	[sflag:s22] =	ssyncadd.s32 s3;
	_ =	sdelay $0x1  }
0xa1: {  	s23 =	simm.s32 $0x1B8B  }
0xa2: {  	_ =	swait.ge [sflag:s23], $0x1  }
0xa3: {  	[sflag:s23] =	ssyncset.done $0x0  }
0xa4: {  	s25 =	simm.s32 $0x1B8E;
	s24 =	sld [smem:$0x3FFE];
	[sflag:s23] =	ssyncadd.s32 $0xFFFFFFFF  }
0xa5: {  	s26 =	simm.s32 $execute0_lowered;
	[smem:$0x3FD2] =	sst s25  }
0xa6: {  	s4 =	sshll.u32 s26, $0x1;
	_ =	strace $0x80000046;
	[dreg:$0x1] =	wrdreg $0xFFFFFFFF  }
0xa7: {  	s28 =	simm.s32 $_size_execute0_lowered;
	s2 =	sadd.s32 s2, s4;
	[dreg:$0x0] =	wrdreg $0x0  }
0xa8: {  	s4 =	sshll.u32 s28, $0x1;
	[dreg:$0x2] =	wrdreg s2  }
0xa9: {  	[dreg:$0x3] =	wrdreg s4  }
0xaa: {  	[dreg:$0x4] =	wrdreg $0xC0  }
0xab: {  	_ =	task [dreg:s6], $0x5FFFF  }
0xac: {  	[dreg:$0x1] =	wrdreg $0xFFFFFFFF  }
0xad: {  	[dreg:$0x0] =	wrdreg $0x60  }
0xae: {  	[dreg:$0x2] =	wrdreg s24  }
0xaf: {  	[dreg:$0x3] =	wrdreg $0x0  }
0xb0: {  	[dreg:$0x4] =	wrdreg $0x9  }
0xb1: {  	_ =	task.clear_ibuf [dreg:s6], $0x5FFFF;
	_ =	strace $0x90000046  }
0xb2: {  	s29 =	simm.s32 $0x9;
	_ =	strace $0x80000048  }
0xb3: {  	_ =	swait.ge [sflag:s29], $0x1  }
0xb4: {  	[sflag:s29] =	ssyncadd.s32 $0xFFFFFFFF  }
0xb5: {  	_ =	strace $0x90000048  }
0xb6: {  	_ =	sfence  }
0xb7: {  	s30 =	sld [smem:$0x0];
	_ =	sdelay $0x2  }
0xb8: {  	s31 =	sshll.u32 s1, $0xD;
	s1 =	sshrl.u32 s1, $0x2  }
0xb9: {  	s3 =	sand.u32 $0x4000, s31;
	s1 =	sadd.s32 s1, s30  }
0xba: {  	s0 =	sor.u32 s3, s0;
	s1 =	sshll.u32 s1, $0x11  }
0xbb: {  	s0 =	sor.u32 s1, s0  }
0xbc: {  	s0 =	sadd.s32 $0x8F2B, s0  }
0xbd: {  	[sflag:s0] =	ssyncadd.remote.s32 $0x1  }
0xbe: {  	_ =	sfence.sel $0xFFFF  }
0xbf: {  	[dreg:$0x0] =	wrdreg $0xFFFFFFFF;
	(pc) =	sbr.abs _section_cstart, $3  }
0xc0: {  	[dreg:$0x1] =	wrdreg $0xFFFFFFFF  }
0xc1: {  	_ =	task.clear_ibuf [dreg:s6], $0x2FFFF;
	_ =	strace $0x9FFFFFFF  }
0xc2: {  	(tm) =	ssettm $0x7FFFFFFF  }
0xc3: {  	_ =	shalt  }
tec
execute0_lowered:
.L_overlay_start_1:
0x0: {  	(tag) =	ssettag $0x1  }
0x1: {  	s1 =	srdreg.scid;
	s6 =	rddreg [dreg:$0x0]  }
0x2: {  	s0 =	stileid.u32;
	s2 =	rddreg [dreg:$0x1]  }
0x3: {  	s3 =	simm.s32 $0x0;
	s13 =	simm.s32 $0x3C00;
	s14 =	simm.s32 $0x140  }
0x4: {  	s15 =	simm.s32 $0x0;
	s7 =	sand.u32 $0x1, s1;
	s1 =	rddreg [dreg:$0x2]  }
0x5: {  	s5 =	sshll.u32 s0, $0x5;
	[smem:$0x7FF] =	sst s3;
	s9 =	smul.u32 $0x280, s0  }
0x6: {  	s11 =	smul.u32 $0x5000, s0;
	s31 =	sshll.u32 s0, $0x6;
	s4 =	sshll.u32 s7, $0x9  }
0x7: {  	_ =	strace $0x80000047;
	s10 =	ssub.s32 $0x2, s7;
	s7 =	smul.u32 $0x2800, s7  }
0x8: {  	s4 =	sor.u32 s5, s4;
	s5 =	sadd.s32 $0x16200, s6;
	s9 =	sadd.s32 s9, s6  }
0x9: {  	s29 =	sshrl.u32 s10, $0x1;
	s30 =	sshrl.u32 s11, $0x2;
	s4 =	smul.u32 $0x28, s4  }
0xa: {  	s11 =	simm.s32 $0x1;
	s10 =	ssub.s32 s10, s29;
	s12 =	sadd.s32 s30, s2  }
0xb: {  	s9 =	sadd.s32 s7, s9;
	s8 =	sadd.s32 s4, s6;
	s4 =	sadd.s32 $0x15E00, s6  }
0xc: {  	s6 =	sor.u32 $0x1C01, s31;
	s7 =	sadd.s32 $0x1E00, s8;
	s8 =	sadd.s32 $0x16400, s9  }
0xd: {  	s9 =	smax.u32 s10, $0x1;
	s10 =	sshrl.u32 s12, $0x3;
	s12 =	simm.s32 $0x1400  }
.LBB2_1:
0xe: {  	[spmem:s10], [sflag:s6] =	dma.local [hbm:s4], $0x280  }
0xf: {  	_ =	swait.ge [sflag:s11], $0x280  }
0x10: {  	[sflag:s11] =	ssyncset.done $0x0  }
0x11: {  	[sflag:s11] =	ssyncadd.s32 $0xFFFFFD80  }
0x12: {  	[tilespmem:s12], [sflag:$0x1] =	stream.linear.gather [hbm4b:s7+s3], $0x2800, $0x38;
	[tilespmem:$0x4600] =	vst v63  }
0x13: {  	_ =	swait.ge [sflag:s11], $0x2800  }
0x14: {  	[sflag:s11] =	ssyncset.done $0x0  }
0x15: {  	[sflag:s11] =	ssyncadd.s32 $0xFFFFD800  }
0x16: {  	[tilespmem:s13], [sflag:$0x1] =	stream.linear.gather [hbm4b:s5+s3], $0xA00, $0x38;
	[tilespmem:$0x4600] =	vst v63  }
0x17: {  	_ =	swait.ge [sflag:s11], $0xA00  }
0x18: {  	[sflag:s11] =	ssyncset.done $0x0  }
0x19: {  	[sflag:s11] =	ssyncadd.s32 $0xFFFFF600  }
0x1a: {  	s16 =	simm.s32 $0x1400;
	[bflag:$0x0] =	sbarrier.arrive $0xFFFF  }
0x1b: {  	[spmem:s2] =	stream.indirect.scatter.add.f32 [tilespmem:s13], [sflag:$0x1], $0x8, s16, s14, $0xb8;
	[tilespmem:$0x4600] =	vst v63  }
0x1c: {  	s16 =	simm.s32 $0x500;
	_ =	swait.ge [sflag:s11], $0xA00  }
.LBB2_2:
0x1d: {  	s17 =	sshra.s32 s16, $0x2;
	[sflag:s11] =	ssyncset.done $0x0;
	p0 =	sne.s32 s16, $0x9B00  }
.Ltmp0:
0x1e: {  	s17 =	sadd.s32 $0x1400, s17;
	[sflag:s11] =	ssyncadd.s32 $0xFFFFF600;
	(pc) =	sbr.rel @p0 .LBB2_2-.Ltmp0, $3  }
0x1f: {  	[spmem:s2] =	stream.indirect.scatter.add.f32 [tilespmem:s13], [sflag:$0x1], $0x8, s17, s14, $0xb8;
	[tilespmem:$0x4600] =	vst v63  }
0x20: {  	s16 =	sadd.s32 $0x500, s16;
	_ =	sdelay $0x1  }
0x21: {  	_ =	swait.ge [sflag:s11], $0xA00  }
0x22: {  	[sflag:s11] =	ssyncset.done $0x0;
	s15 =	sadd.s32 $0x1, s15  }
0x23: {  	[sflag:s11] =	ssyncadd.s32 $0xFFFFF600;
	p0 =	sne.s32 s15, s9  }
.Ltmp1:
0x24: {  	[bflag:$0x0] =	sbarrier.arrive $0xFFFF;
	(pc) =	sbr.rel @p0 .LBB2_1-.Ltmp1, $4  }
0x25: {  	[hbm:s8], [sflag:s6] =	dma.local [spmem:s10], $0x280  }
0x26: {  	_ =	swait.ge [sflag:s11], $0x280  }
0x27: {  	[sflag:s11] =	ssyncset.done $0x0  }
0x28: {  	[sflag:s11] =	ssyncadd.s32 $0xFFFFFD80  }
0x29: {  	_ =	sfence.sel $0x180000  }
0x2a: {  	[bflag:$0x0] =	sbarrier.arrive $0xFFFF  }
0x2b: {  	p0 =	sne.s32 s0, $0x0;
	_ =	strace $0x90000047  }
0x2c: {  	s0 =	sadd.s32 @!p0 $0x100000, s1;
	[bflag:$0x2] =	sbarrier.arrive $0xFFFF  }
0x2d: {  	[sflag:s0] =	ssyncadd.tile.s32 @!p0 $0x1;
	_ =	shalt  }
.Lfunc_end2:
_tile_overlayer_lowered:
.L_overlay_start_2:
0x2e: {  	(tag) =	ssettag $0x2  }
0x2f: {  	s0 =	rddreg [dreg:$0x0];
	s2 =	stileid.u32  }
0x30: {  	s1 =	rddreg [dreg:$0x1];
	p0 =	sne.s32 s2, $0x0  }
0x31: {  	s3 =	rddreg [dreg:$0x2];
	[bflag:$0x3] =	sbarrier.arrive $0xFFFF;
	s2 =	simm.s32 @!p0 $0x1C01  }
0x32: {  	[timem:s3], [sflag:s2] =	dma.local @!p0 [hbm:s0], s1  }
0x33: {  	s0 =	simm.s32 @!p0 $0x1  }
0x34: {  	_ =	swait.ge @!p0 [sflag:s0], s1  }
0x35: {  	s1 =	ssub.s32 @!p0 $0x0, s1;
	[sflag:s0] =	ssyncset.done @!p0 $0x0  }
0x36: {  	[sflag:s0] =	ssyncadd.s32 @!p0 s1  }
0x37: {  	[bflag:$0x3] =	sbarrier.arrive $0xFFFF  }
0x38: {  	_ =	shalt  }

</sc_bundles>
